<compile_context>
chip_gen: v7x
topology: tpu7x:2x2x1
jax: 0.10.2.dev20260603
libtpu: 0.0.44.dev20260713+nightly
codegen_flags: <defaults>
</compile_context>

<pallas_src>
import functools

import jax
import jax.numpy as jnp
from jax import lax
from jax.experimental import pallas as pl
from jax.experimental.pallas import tpu as pltpu
from jax.experimental.pallas import tpu_sc as plsc

_Q = 1024
_D = 64
_K = 100000
_C = 1000
_T = 10

_QB = 128
_KB = 2048
_NKB = 49
_KPAD = _KB * _NKB

_IMAX = jnp.iinfo(jnp.int32).max
_NINF = float("-inf")



def _topk_body(y_ref, f_ref, oidx_ref, vals_ref, idx_ref):
    k = pl.program_id(1)
    nk = pl.num_programs(1)

    yb = y_ref[...]
    yn = yb / jnp.sqrt(jnp.sum(yb * yb, axis=1, keepdims=True))
    sim = lax.dot_general(
        f_ref[...], yn, (((1,), (1,)), ((), ())),
        preferred_element_type=jnp.float32)
    col = lax.broadcasted_iota(jnp.int32, (_KB, _QB), 0) + k * _KB
    work = jnp.where(col < _K, sim, _NINF)

    @pl.when(k == 0)
    def _init():
        vals_ref[...] = jnp.full((32, _QB), _NINF, jnp.float32)
        idx_ref[...] = jnp.full((32, _QB), _IMAX, jnp.int32)

    theta = vals_ref[9:10, :]
    cnt = jnp.sum((work > theta).astype(jnp.int32), axis=0, keepdims=True)
    needed = jnp.minimum(jnp.max(cnt), _T)

    @pl.when(needed > 0)
    def _extract_and_merge():
        vals_ref[10:20, :] = jnp.full((_T, _QB), _NINF, jnp.float32)
        idx_ref[10:20, :] = jnp.full((_T, _QB), _IMAX, jnp.int32)

        for t in range(_T):
            @pl.when(t < needed)
            def _round(t=t):
                if t == 0:
                    m = jnp.max(work, axis=0, keepdims=True)
                    c = jnp.min(jnp.where(work == m, col, _IMAX),
                                axis=0, keepdims=True)
                else:
                    mp = vals_ref[9 + t:10 + t, :]
                    cp = idx_ref[9 + t:10 + t, :]
                    elig = (work < mp) | ((work == mp) & (col > cp))
                    m = jnp.max(jnp.where(elig, work, _NINF),
                                axis=0, keepdims=True)
                    c = jnp.min(jnp.where(elig & (work == m), col, _IMAX),
                                axis=0, keepdims=True)
                vals_ref[10 + t:11 + t, :] = m
                idx_ref[10 + t:11 + t, :] = c

        wv = vals_ref[0:20, :]
        wi = idx_ref[0:20, :]
        nv, ni = [], []
        for _ in range(_T):
            m = jnp.max(wv, axis=0, keepdims=True)
            c = jnp.min(jnp.where(wv == m, wi, _IMAX),
                        axis=0, keepdims=True)
            nv.append(m)
            ni.append(c)
            wv = jnp.where(wi == c, _NINF, wv)
        vals_ref[0:10, :] = jnp.concatenate(nv, axis=0)
        idx_ref[0:10, :] = jnp.concatenate(ni, axis=0)

    @pl.when(k == nk - 1)
    def _emit():
        oidx_ref[...] = jnp.concatenate(
            [idx_ref[0:10, :], jnp.zeros((6, _QB), jnp.int32)], axis=0)


def _topk_call(y_pred, fpad):
    return pl.pallas_call(
        _topk_body,
        grid=(_Q // _QB, _NKB),
        in_specs=[
            pl.BlockSpec((_QB, _D), lambda q, k: (q, 0)),
            pl.BlockSpec((_KB, _D), lambda q, k: (k, 0)),
        ],
        out_specs=pl.BlockSpec((16, _QB), lambda q, k: (q, 0)),
        out_shape=jax.ShapeDtypeStruct(((_Q // _QB) * 16, _QB), jnp.int32),
        scratch_shapes=[
            pltpu.VMEM((32, _QB), jnp.float32),
            pltpu.VMEM((32, _QB), jnp.int32),
        ],
        compiler_params=pltpu.CompilerParams(
            dimension_semantics=("parallel", "arbitrary")),
    )(y_pred, fpad)



_NC = 2
_NS = 16
_NW = _NC * _NS
_QPW = _Q // _NW
_IPW = _QPW * _T
_WORDS = _QPW * _C
_GCH = 64


def _sc_body(idx_hbm, y_hbm, out_hbm, idxv, labv, oh, sem):
    c = lax.axis_index("c")
    s = lax.axis_index("s")
    wid = s * _NC + c
    ibase = wid * _IPW
    obase = wid * _WORDS

    pltpu.sync_copy(idx_hbm.at[pl.ds(ibase, _IPW)], idxv)

    cps = []
    for j in range(_IPW // _GCH):
        cps.append(pltpu.async_copy(
            y_hbm.at[idxv.at[pl.ds(j * _GCH, _GCH)]],
            labv.at[pl.ds(j * _GCH, _GCH)], sem))
    for cp in cps:
        cp.wait()

    zero = jnp.zeros((16,), jnp.float32)

    def _zb(i, carry):
        oh[pl.ds(i * 16, 16)] = zero
        return carry

    lax.fori_loop(0, _WORDS // 16, _zb, 0)

    one = jnp.ones((16,), jnp.float32)
    for j in range(_IPW // 16):
        lab = labv[pl.ds(j * 16, 16)]
        ii = lax.iota(jnp.int32, 16) + (j * 16)
        qoff = (ii // _T) * _C
        plsc.store_scatter(oh, [qoff + lab], one)

    pltpu.sync_copy(oh, out_hbm.at[pl.ds(obase, _WORDS)])


def _sc_call(flat_idx, y):
    mesh = plsc.VectorSubcoreMesh(core_axis_name="c", subcore_axis_name="s")
    fn = functools.partial(
        pl.kernel,
        mesh=mesh,
        out_type=jax.ShapeDtypeStruct((_Q * _C,), jnp.float32),
        scratch_types=[
            pltpu.VMEM((_IPW,), jnp.int32),
            pltpu.VMEM((_IPW,), jnp.int32),
            pltpu.VMEM((_WORDS,), jnp.float32),
            pltpu.SemaphoreType.DMA,
        ],
        compiler_params=pltpu.CompilerParams(needs_layout_passes=False),
    )(_sc_body)
    return fn(flat_idx, y)




def kernel(y_pred, image_features, y):
    tidx = _topk_call(y_pred, image_features)
    tidx = tidx.reshape(_Q // _QB, 16, _QB)
    flat_idx = tidx.transpose(0, 2, 1)[:, :, :_T].reshape(-1)
    out_flat = _sc_call(flat_idx, y)
    return out_flat.reshape(_Q, _C)

# --- scband reference (transcript-rebuilt; emitter-appended) ---
"""Pipeline reference for scband-accuracy-pre-8418135900427 (READ-ONLY COPY).

The authoritative reference and input builder live on the scoring server;
editing this copy changes nothing except your own understanding.
"""

import jax, jax.numpy as jnp
import numpy as np

Q = 1024
D = 64
K_DB = 100000
NUM_CLASSES = 1000
TOP_K = 10

def setup_inputs(seed: int = 0) -> dict:
    key = jax.random.key(seed)
    k1, k2, k3 = jax.random.split(key, 3)
    y_pred = jax.random.normal(k1, (Q, D), dtype=jnp.float32)
    # learned/buffered database: image features (pre-normalized in __init__) and labels
    image_features = jax.random.normal(k2, (K_DB, D), dtype=jnp.float32)
    image_features = image_features / jnp.linalg.norm(image_features, axis=-1, keepdims=True)
    y = jax.random.randint(k3, (K_DB,), 0, NUM_CLASSES, dtype=jnp.int32)
    return {"y_pred": y_pred, "image_features": image_features, "y": y}

def reference(y_pred, image_features, y):
    # forward with object='speed' (default)
    y_pred = y_pred / jnp.linalg.norm(y_pred, axis=-1, keepdims=True)
    similarity = y_pred @ image_features.T                      # [Q, K_DB]
    sim_argsort = jnp.argsort(-similarity, axis=1)              # descending order
    pred = jnp.take(y, sim_argsort)                             # gather labels [Q, K_DB]
    top10 = pred[:, :10]                                        # top-10 neighbor labels
    rows = jnp.broadcast_to(jnp.arange(Q)[:, None], top10.shape)
    out = jnp.zeros((Q, NUM_CLASSES), dtype=jnp.float32).at[rows, top10].set(1.0)
    return out

if __name__ == "__main__":
    import jax
    _d = setup_inputs()
    print(jax.jit(kernel)(*tuple(_d.values())))

</pallas_src>

<mosaic_0001>
#map = affine_map<(d0, d1) -> (0)>
module attributes {stable_mosaic.version = 14 : i64} {
  func.func @_sc_body(%arg0: i32, %arg1: i32, %arg2: memref<10240xi32, #tpu.memory_space<hbm>>, %arg3: memref<100000xi32, #tpu.memory_space<hbm>>, %arg4: memref<1024000xf32, #tpu.memory_space<hbm>>, %arg5: memref<320xi32, #tpu.memory_space<vmem>>, %arg6: memref<320xi32, #tpu.memory_space<vmem>>, %arg7: memref<32000xf32, #tpu.memory_space<vmem>>, %arg8: memref<!tpu.dma_semaphore, #tpu.memory_space<semaphore_mem>>) attributes {dimension_semantics = [#tpu.dimension_semantics<core_parallel>, #tpu.dimension_semantics<subcore_parallel>], iteration_bounds = array<i64: 2, 16>, scalar_prefetch = 0 : i64, scratch_operands = 4 : i64, tpu.core_type = #tpu.core_type<sc_vector_subcore>, window_params = [{transform_indices = #map}, {transform_indices = #map}, {transform_indices = #map}]} {
    %mul3A = arith.constant 2 : i32
    %mul3A_0 = arith.muli %arg1, %mul3A : i32
    %add3A = arith.addi %mul3A_0, %arg0 : i32
    %mul3A_1 = arith.constant 320 : i32
    %mul3A_2 = arith.muli %add3A, %mul3A_1 : i32
    %mul3A_3 = arith.constant 32000 : i32
    %mul3A_4 = arith.muli %add3A, %mul3A_3 : i32
    "tpu.region"() ({
      %run_scoped3A = tpu.sem_alloc : memref<!tpu.dma_semaphore, #tpu.memory_space<semaphore_mem>>
      %dma_start3A_881 = tpu.memref_slice %arg2[%mul3A_2] : memref<10240xi32, #tpu.memory_space<hbm>> -> memref<320xi32, #tpu.memory_space<hbm>>
      %dma_start3A_882 = tpu.memref_slice %arg2[%mul3A_2] : memref<10240xi32, #tpu.memory_space<hbm>> -> memref<320xi32, #tpu.memory_space<hbm>>
      tpu.enqueue_dma source(%dma_start3A_882 : memref<320xi32, #tpu.memory_space<hbm>>) target(%arg5 : memref<320xi32, #tpu.memory_space<vmem>>) target_semaphore(%run_scoped3A : memref<!tpu.dma_semaphore, #tpu.memory_space<semaphore_mem>>)
      %dma_wait3A_883 = tpu.memref_slice %arg2[%mul3A_2] : memref<10240xi32, #tpu.memory_space<hbm>> -> memref<320xi32, #tpu.memory_space<hbm>>
      %dma_wait3A_884 = tpu.memref_slice %arg2[%mul3A_2] : memref<10240xi32, #tpu.memory_space<hbm>> -> memref<320xi32, #tpu.memory_space<hbm>>
      tpu.wait_dma2 semaphore(%run_scoped3A : memref<!tpu.dma_semaphore, #tpu.memory_space<semaphore_mem>>) src(%dma_wait3A_884 : memref<320xi32, #tpu.memory_space<hbm>>) dst(%arg5 : memref<320xi32, #tpu.memory_space<vmem>>)
      tpu.yield
    }) : () -> ()
    %dma_start3A = arith.constant 0 : i32
    %dma_start3A_5 = tpu.memref_slice %arg6[%dma_start3A] : memref<320xi32, #tpu.memory_space<vmem>> -> memref<64xi32, #tpu.memory_space<vmem>>
    %dma_start3A_6 = arith.constant 0 : i32
    %dma_start3A_7 = tpu.memref_slice %arg5[%dma_start3A_6] : memref<320xi32, #tpu.memory_space<vmem>> -> memref<64xi32, #tpu.memory_space<vmem>>
    %dma_start3A_8 = arith.constant 0 : i32
    %dma_start3A_9 = tpu.memref_slice %arg3[%dma_start3A_8] : memref<100000xi32, #tpu.memory_space<hbm>> -> memref<100000xi32, #tpu.memory_space<hbm>>
    tpu.enqueue_indirect_dma source(%dma_start3A_9 : memref<100000xi32, #tpu.memory_space<hbm>>) target(%dma_start3A_5 : memref<64xi32, #tpu.memory_space<vmem>>) offsets(%dma_start3A_7 : memref<64xi32, #tpu.memory_space<vmem>>) semaphore(%arg8 : memref<!tpu.dma_semaphore, #tpu.memory_space<semaphore_mem>>)
    %dma_start3A_10 = arith.constant 64 : i32
    %dma_start3A_11 = tpu.memref_slice %arg6[%dma_start3A_10] : memref<320xi32, #tpu.memory_space<vmem>> -> memref<64xi32, #tpu.memory_space<vmem>>
    %dma_start3A_12 = arith.constant 64 : i32
    %dma_start3A_13 = tpu.memref_slice %arg5[%dma_start3A_12] : memref<320xi32, #tpu.memory_space<vmem>> -> memref<64xi32, #tpu.memory_space<vmem>>
    %dma_start3A_14 = arith.constant 0 : i32
    %dma_start3A_15 = tpu.memref_slice %arg3[%dma_start3A_14] : memref<100000xi32, #tpu.memory_space<hbm>> -> memref<100000xi32, #tpu.memory_space<hbm>>
    tpu.enqueue_indirect_dma source(%dma_start3A_15 : memref<100000xi32, #tpu.memory_space<hbm>>) target(%dma_start3A_11 : memref<64xi32, #tpu.memory_space<vmem>>) offsets(%dma_start3A_13 : memref<64xi32, #tpu.memory_space<vmem>>) semaphore(%arg8 : memref<!tpu.dma_semaphore, #tpu.memory_space<semaphore_mem>>)
    %dma_start3A_16 = arith.constant 128 : i32
    %dma_start3A_17 = tpu.memref_slice %arg6[%dma_start3A_16] : memref<320xi32, #tpu.memory_space<vmem>> -> memref<64xi32, #tpu.memory_space<vmem>>
    %dma_start3A_18 = arith.constant 128 : i32
    %dma_start3A_19 = tpu.memref_slice %arg5[%dma_start3A_18] : memref<320xi32, #tpu.memory_space<vmem>> -> memref<64xi32, #tpu.memory_space<vmem>>
    %dma_start3A_20 = arith.constant 0 : i32
    %dma_start3A_21 = tpu.memref_slice %arg3[%dma_start3A_20] : memref<100000xi32, #tpu.memory_space<hbm>> -> memref<100000xi32, #tpu.memory_space<hbm>>
    tpu.enqueue_indirect_dma source(%dma_start3A_21 : memref<100000xi32, #tpu.memory_space<hbm>>) target(%dma_start3A_17 : memref<64xi32, #tpu.memory_space<vmem>>) offsets(%dma_start3A_19 : memref<64xi32, #tpu.memory_space<vmem>>) semaphore(%arg8 : memref<!tpu.dma_semaphore, #tpu.memory_space<semaphore_mem>>)
    %dma_start3A_22 = arith.constant 192 : i32
    %dma_start3A_23 = tpu.memref_slice %arg6[%dma_start3A_22] : memref<320xi32, #tpu.memory_space<vmem>> -> memref<64xi32, #tpu.memory_space<vmem>>
    %dma_start3A_24 = arith.constant 192 : i32
    %dma_start3A_25 = tpu.memref_slice %arg5[%dma_start3A_24] : memref<320xi32, #tpu.memory_space<vmem>> -> memref<64xi32, #tpu.memory_space<vmem>>
    %dma_start3A_26 = arith.constant 0 : i32
    %dma_start3A_27 = tpu.memref_slice %arg3[%dma_start3A_26] : memref<100000xi32, #tpu.memory_space<hbm>> -> memref<100000xi32, #tpu.memory_space<hbm>>
    tpu.enqueue_indirect_dma source(%dma_start3A_27 : memref<100000xi32, #tpu.memory_space<hbm>>) target(%dma_start3A_23 : memref<64xi32, #tpu.memory_space<vmem>>) offsets(%dma_start3A_25 : memref<64xi32, #tpu.memory_space<vmem>>) semaphore(%arg8 : memref<!tpu.dma_semaphore, #tpu.memory_space<semaphore_mem>>)
    %dma_start3A_28 = arith.constant 256 : i32
    %dma_start3A_29 = tpu.memref_slice %arg6[%dma_start3A_28] : memref<320xi32, #tpu.memory_space<vmem>> -> memref<64xi32, #tpu.memory_space<vmem>>
    %dma_start3A_30 = arith.constant 256 : i32
    %dma_start3A_31 = tpu.memref_slice %arg5[%dma_start3A_30] : memref<320xi32, #tpu.memory_space<vmem>> -> memref<64xi32, #tpu.memory_space<vmem>>
    %dma_start3A_32 = arith.constant 0 : i32
    %dma_start3A_33 = tpu.memref_slice %arg3[%dma_start3A_32] : memref<100000xi32, #tpu.memory_space<hbm>> -> memref<100000xi32, #tpu.memory_space<hbm>>
    tpu.enqueue_indirect_dma source(%dma_start3A_33 : memref<100000xi32, #tpu.memory_space<hbm>>) target(%dma_start3A_29 : memref<64xi32, #tpu.memory_space<vmem>>) offsets(%dma_start3A_31 : memref<64xi32, #tpu.memory_space<vmem>>) semaphore(%arg8 : memref<!tpu.dma_semaphore, #tpu.memory_space<semaphore_mem>>)
    %dma_wait3A = arith.constant 0 : i32
    %dma_wait3A_34 = tpu.memref_slice %arg6[%dma_wait3A] : memref<320xi32, #tpu.memory_space<vmem>> -> memref<64xi32, #tpu.memory_space<vmem>>
    %dma_wait3A_35 = arith.constant 0 : i32
    %dma_wait3A_36 = tpu.memref_slice %arg5[%dma_wait3A_35] : memref<320xi32, #tpu.memory_space<vmem>> -> memref<64xi32, #tpu.memory_space<vmem>>
    %dma_wait3A_37 = arith.constant 0 : i32
    %dma_wait3A_38 = tpu.memref_slice %arg3[%dma_wait3A_37] : memref<100000xi32, #tpu.memory_space<hbm>> -> memref<100000xi32, #tpu.memory_space<hbm>>
    tpu.wait_indirect_dma semaphore(%arg8 : memref<!tpu.dma_semaphore, #tpu.memory_space<semaphore_mem>>) src(%dma_wait3A_38 : memref<100000xi32, #tpu.memory_space<hbm>>) dst(%dma_wait3A_34 : memref<64xi32, #tpu.memory_space<vmem>>)
    %dma_wait3A_39 = arith.constant 64 : i32
    %dma_wait3A_40 = tpu.memref_slice %arg6[%dma_wait3A_39] : memref<320xi32, #tpu.memory_space<vmem>> -> memref<64xi32, #tpu.memory_space<vmem>>
    %dma_wait3A_41 = arith.constant 64 : i32
    %dma_wait3A_42 = tpu.memref_slice %arg5[%dma_wait3A_41] : memref<320xi32, #tpu.memory_space<vmem>> -> memref<64xi32, #tpu.memory_space<vmem>>
    %dma_wait3A_43 = arith.constant 0 : i32
    %dma_wait3A_44 = tpu.memref_slice %arg3[%dma_wait3A_43] : memref<100000xi32, #tpu.memory_space<hbm>> -> memref<100000xi32, #tpu.memory_space<hbm>>
    tpu.wait_indirect_dma semaphore(%arg8 : memref<!tpu.dma_semaphore, #tpu.memory_space<semaphore_mem>>) src(%dma_wait3A_44 : memref<100000xi32, #tpu.memory_space<hbm>>) dst(%dma_wait3A_40 : memref<64xi32, #tpu.memory_space<vmem>>)
    %dma_wait3A_45 = arith.constant 128 : i32
    %dma_wait3A_46 = tpu.memref_slice %arg6[%dma_wait3A_45] : memref<320xi32, #tpu.memory_space<vmem>> -> memref<64xi32, #tpu.memory_space<vmem>>
    %dma_wait3A_47 = arith.constant 128 : i32
    %dma_wait3A_48 = tpu.memref_slice %arg5[%dma_wait3A_47] : memref<320xi32, #tpu.memory_space<vmem>> -> memref<64xi32, #tpu.memory_space<vmem>>
    %dma_wait3A_49 = arith.constant 0 : i32
    %dma_wait3A_50 = tpu.memref_slice %arg3[%dma_wait3A_49] : memref<100000xi32, #tpu.memory_space<hbm>> -> memref<100000xi32, #tpu.memory_space<hbm>>
    tpu.wait_indirect_dma semaphore(%arg8 : memref<!tpu.dma_semaphore, #tpu.memory_space<semaphore_mem>>) src(%dma_wait3A_50 : memref<100000xi32, #tpu.memory_space<hbm>>) dst(%dma_wait3A_46 : memref<64xi32, #tpu.memory_space<vmem>>)
    %dma_wait3A_51 = arith.constant 192 : i32
    %dma_wait3A_52 = tpu.memref_slice %arg6[%dma_wait3A_51] : memref<320xi32, #tpu.memory_space<vmem>> -> memref<64xi32, #tpu.memory_space<vmem>>
    %dma_wait3A_53 = arith.constant 192 : i32
    %dma_wait3A_54 = tpu.memref_slice %arg5[%dma_wait3A_53] : memref<320xi32, #tpu.memory_space<vmem>> -> memref<64xi32, #tpu.memory_space<vmem>>
    %dma_wait3A_55 = arith.constant 0 : i32
    %dma_wait3A_56 = tpu.memref_slice %arg3[%dma_wait3A_55] : memref<100000xi32, #tpu.memory_space<hbm>> -> memref<100000xi32, #tpu.memory_space<hbm>>
    tpu.wait_indirect_dma semaphore(%arg8 : memref<!tpu.dma_semaphore, #tpu.memory_space<semaphore_mem>>) src(%dma_wait3A_56 : memref<100000xi32, #tpu.memory_space<hbm>>) dst(%dma_wait3A_52 : memref<64xi32, #tpu.memory_space<vmem>>)
    %dma_wait3A_57 = arith.constant 256 : i32
    %dma_wait3A_58 = tpu.memref_slice %arg6[%dma_wait3A_57] : memref<320xi32, #tpu.memory_space<vmem>> -> memref<64xi32, #tpu.memory_space<vmem>>
    %dma_wait3A_59 = arith.constant 256 : i32
    %dma_wait3A_60 = tpu.memref_slice %arg5[%dma_wait3A_59] : memref<320xi32, #tpu.memory_space<vmem>> -> memref<64xi32, #tpu.memory_space<vmem>>
    %dma_wait3A_61 = arith.constant 0 : i32
    %dma_wait3A_62 = tpu.memref_slice %arg3[%dma_wait3A_61] : memref<100000xi32, #tpu.memory_space<hbm>> -> memref<100000xi32, #tpu.memory_space<hbm>>
    tpu.wait_indirect_dma semaphore(%arg8 : memref<!tpu.dma_semaphore, #tpu.memory_space<semaphore_mem>>) src(%dma_wait3A_62 : memref<100000xi32, #tpu.memory_space<hbm>>) dst(%dma_wait3A_58 : memref<64xi32, #tpu.memory_space<vmem>>)
    %broadcast_in_dim3A = arith.constant 0.000000e+00 : f32
    %broadcast_in_dim3A_63 = vector.broadcast %broadcast_in_dim3A : f32 to vector<16xf32>
    %scan3A = arith.constant 0 : i32
    %scan3A_64 = arith.constant 0 : i32
    %scan3A_65 = arith.constant 2000 : i32
    %scan3A_66 = arith.addi %scan3A_64, %scan3A_65 : i32
    %scan3A_67 = arith.constant 1 : i32
    scf.for %scan3A_881 = %scan3A_64 to %scan3A_66 step %scan3A_67  : i32 {
      %mul3A_882 = arith.constant 16 : i32
      %mul3A_883 = arith.muli %scan3A_881, %mul3A_882 : i32
      %swap3A = arith.index_cast %mul3A_883 : i32 to index
      %swap3A_884 = tpu.vector_load %arg7[%swap3A] {strides = array<i32>} : memref<32000xf32, #tpu.memory_space<vmem>>, vector<16xf32>,
      tpu.vector_store %arg7[%swap3A], %broadcast_in_dim3A_63 {strides = array<i32>} : memref<32000xf32, #tpu.memory_space<vmem>>, vector<16xf32>,
    }
    %scan3A_68 = arith.constant 2000 : i32
    %broadcast_in_dim3A_69 = arith.constant 1.000000e+00 : f32
    %broadcast_in_dim3A_70 = vector.broadcast %broadcast_in_dim3A_69 : f32 to vector<16xf32>
    %get3A = arith.constant 0 : index
    %get3A_71 = tpu.vector_load %arg6[%get3A] {strides = array<i32>} : memref<320xi32, #tpu.memory_space<vmem>>, vector<16xi32>,
    %iota3A = tpu.iota {dimensions = array<i32: 0>} : vector<16xi32>
    %add3A_72 = arith.constant 0 : i32
    %add3A_73 = vector.broadcast %add3A_72 : i32 to vector<16xi32>
    %add3A_74 = arith.addi %iota3A, %add3A_73 : vector<16xi32>
    %jit3A = arith.constant 10 : i32
    %div3A = vector.broadcast %jit3A : i32 to vector<16xi32>
    %div3A_75 = arith.divsi %add3A_74, %div3A : vector<16xi32>
    %sign3A = arith.constant 0 : i32
    %sign3A_76 = vector.broadcast %sign3A : i32 to vector<16xi32>
    %sign3A_77 = arith.cmpi sgt, %add3A_74, %sign3A_76 : vector<16xi32>
    %sign3A_78 = arith.extui %sign3A_77 : vector<16xi1> to vector<16xi32>
    %sign3A_79 = arith.constant 0 : i32
    %sign3A_80 = vector.broadcast %sign3A_79 : i32 to vector<16xi32>
    %sign3A_81 = arith.cmpi slt, %add3A_74, %sign3A_80 : vector<16xi32>
    %sign3A_82 = arith.extui %sign3A_81 : vector<16xi1> to vector<16xi32>
    %sign3A_83 = arith.subi %sign3A_78, %sign3A_82 : vector<16xi32>
    %sign3A_84 = arith.constant 0 : i32
    %sign3A_85 = arith.cmpi sgt, %jit3A, %sign3A_84 : i32
    %sign3A_86 = arith.extui %sign3A_85 : i1 to i32
    %sign3A_87 = arith.constant 0 : i32
    %sign3A_88 = arith.cmpi slt, %jit3A, %sign3A_87 : i32
    %sign3A_89 = arith.extui %sign3A_88 : i1 to i32
    %sign3A_90 = arith.subi %sign3A_86, %sign3A_89 : i32
    %ne3A = vector.broadcast %sign3A_90 : i32 to vector<16xi32>
    %ne3A_91 = arith.cmpi ne, %sign3A_83, %ne3A : vector<16xi32>
    %rem3A = vector.broadcast %jit3A : i32 to vector<16xi32>
    %rem3A_92 = arith.remsi %add3A_74, %rem3A : vector<16xi32>
    %ne3A_93 = arith.constant 0 : i32
    %ne3A_94 = vector.broadcast %ne3A_93 : i32 to vector<16xi32>
    %ne3A_95 = arith.cmpi ne, %rem3A_92, %ne3A_94 : vector<16xi32>
    %and3A = arith.andi %ne3A_91, %ne3A_95 : vector<16xi1>
    %sub3A = arith.constant 1 : i32
    %sub3A_96 = vector.broadcast %sub3A : i32 to vector<16xi32>
    %sub3A_97 = arith.subi %div3A_75, %sub3A_96 : vector<16xi32>
    %select_n3A = arith.select %and3A, %sub3A_97, %div3A_75 : vector<16xi1>, vector<16xi32>
    %mul3A_98 = arith.constant 1000 : i32
    %mul3A_99 = vector.broadcast %mul3A_98 : i32 to vector<16xi32>
    %mul3A_100 = arith.muli %select_n3A, %mul3A_99 : vector<16xi32>
    %add3A_101 = arith.addi %mul3A_100, %get3A_71 : vector<16xi32>
    tpu.vector_store_idx %arg7[%add3A_101], %broadcast_in_dim3A_70 : memref<32000xf32, #tpu.memory_space<vmem>>[vector<16xi32>], vector<16xf32>,
    %get3A_102 = arith.constant 16 : index
    %get3A_103 = tpu.vector_load %arg6[%get3A_102] {strides = array<i32>} : memref<320xi32, #tpu.memory_space<vmem>>, vector<16xi32>,
    %iota3A_104 = tpu.iota {dimensions = array<i32: 0>} : vector<16xi32>
    %add3A_105 = arith.constant 16 : i32
    %add3A_106 = vector.broadcast %add3A_105 : i32 to vector<16xi32>
    %add3A_107 = arith.addi %iota3A_104, %add3A_106 : vector<16xi32>
    %jit3A_108 = arith.constant 10 : i32
    %div3A_109 = vector.broadcast %jit3A_108 : i32 to vector<16xi32>
    %div3A_110 = arith.divsi %add3A_107, %div3A_109 : vector<16xi32>
    %sign3A_111 = arith.constant 0 : i32
    %sign3A_112 = vector.broadcast %sign3A_111 : i32 to vector<16xi32>
    %sign3A_113 = arith.cmpi sgt, %add3A_107, %sign3A_112 : vector<16xi32>
    %sign3A_114 = arith.extui %sign3A_113 : vector<16xi1> to vector<16xi32>
    %sign3A_115 = arith.constant 0 : i32
    %sign3A_116 = vector.broadcast %sign3A_115 : i32 to vector<16xi32>
    %sign3A_117 = arith.cmpi slt, %add3A_107, %sign3A_116 : vector<16xi32>
    %sign3A_118 = arith.extui %sign3A_117 : vector<16xi1> to vector<16xi32>
    %sign3A_119 = arith.subi %sign3A_114, %sign3A_118 : vector<16xi32>
    %sign3A_120 = arith.constant 0 : i32
    %sign3A_121 = arith.cmpi sgt, %jit3A_108, %sign3A_120 : i32
    %sign3A_122 = arith.extui %sign3A_121 : i1 to i32
    %sign3A_123 = arith.constant 0 : i32
    %sign3A_124 = arith.cmpi slt, %jit3A_108, %sign3A_123 : i32
    %sign3A_125 = arith.extui %sign3A_124 : i1 to i32
    %sign3A_126 = arith.subi %sign3A_122, %sign3A_125 : i32
    %ne3A_127 = vector.broadcast %sign3A_126 : i32 to vector<16xi32>
    %ne3A_128 = arith.cmpi ne, %sign3A_119, %ne3A_127 : vector<16xi32>
    %rem3A_129 = vector.broadcast %jit3A_108 : i32 to vector<16xi32>
    %rem3A_130 = arith.remsi %add3A_107, %rem3A_129 : vector<16xi32>
    %ne3A_131 = arith.constant 0 : i32
    %ne3A_132 = vector.broadcast %ne3A_131 : i32 to vector<16xi32>
    %ne3A_133 = arith.cmpi ne, %rem3A_130, %ne3A_132 : vector<16xi32>
    %and3A_134 = arith.andi %ne3A_128, %ne3A_133 : vector<16xi1>
    %sub3A_135 = arith.constant 1 : i32
    %sub3A_136 = vector.broadcast %sub3A_135 : i32 to vector<16xi32>
    %sub3A_137 = arith.subi %div3A_110, %sub3A_136 : vector<16xi32>
    %select_n3A_138 = arith.select %and3A_134, %sub3A_137, %div3A_110 : vector<16xi1>, vector<16xi32>
    %mul3A_139 = arith.constant 1000 : i32
    %mul3A_140 = vector.broadcast %mul3A_139 : i32 to vector<16xi32>
    %mul3A_141 = arith.muli %select_n3A_138, %mul3A_140 : vector<16xi32>
    %add3A_142 = arith.addi %mul3A_141, %get3A_103 : vector<16xi32>
    tpu.vector_store_idx %arg7[%add3A_142], %broadcast_in_dim3A_70 : memref<32000xf32, #tpu.memory_space<vmem>>[vector<16xi32>], vector<16xf32>,
    %get3A_143 = arith.constant 32 : index
    %get3A_144 = tpu.vector_load %arg6[%get3A_143] {strides = array<i32>} : memref<320xi32, #tpu.memory_space<vmem>>, vector<16xi32>,
    %iota3A_145 = tpu.iota {dimensions = array<i32: 0>} : vector<16xi32>
    %add3A_146 = arith.constant 32 : i32
    %add3A_147 = vector.broadcast %add3A_146 : i32 to vector<16xi32>
    %add3A_148 = arith.addi %iota3A_145, %add3A_147 : vector<16xi32>
    %jit3A_149 = arith.constant 10 : i32
    %div3A_150 = vector.broadcast %jit3A_149 : i32 to vector<16xi32>
    %div3A_151 = arith.divsi %add3A_148, %div3A_150 : vector<16xi32>
    %sign3A_152 = arith.constant 0 : i32
    %sign3A_153 = vector.broadcast %sign3A_152 : i32 to vector<16xi32>
    %sign3A_154 = arith.cmpi sgt, %add3A_148, %sign3A_153 : vector<16xi32>
    %sign3A_155 = arith.extui %sign3A_154 : vector<16xi1> to vector<16xi32>
    %sign3A_156 = arith.constant 0 : i32
    %sign3A_157 = vector.broadcast %sign3A_156 : i32 to vector<16xi32>
    %sign3A_158 = arith.cmpi slt, %add3A_148, %sign3A_157 : vector<16xi32>
    %sign3A_159 = arith.extui %sign3A_158 : vector<16xi1> to vector<16xi32>
    %sign3A_160 = arith.subi %sign3A_155, %sign3A_159 : vector<16xi32>
    %sign3A_161 = arith.constant 0 : i32
    %sign3A_162 = arith.cmpi sgt, %jit3A_149, %sign3A_161 : i32
    %sign3A_163 = arith.extui %sign3A_162 : i1 to i32
    %sign3A_164 = arith.constant 0 : i32
    %sign3A_165 = arith.cmpi slt, %jit3A_149, %sign3A_164 : i32
    %sign3A_166 = arith.extui %sign3A_165 : i1 to i32
    %sign3A_167 = arith.subi %sign3A_163, %sign3A_166 : i32
    %ne3A_168 = vector.broadcast %sign3A_167 : i32 to vector<16xi32>
    %ne3A_169 = arith.cmpi ne, %sign3A_160, %ne3A_168 : vector<16xi32>
    %rem3A_170 = vector.broadcast %jit3A_149 : i32 to vector<16xi32>
    %rem3A_171 = arith.remsi %add3A_148, %rem3A_170 : vector<16xi32>
    %ne3A_172 = arith.constant 0 : i32
    %ne3A_173 = vector.broadcast %ne3A_172 : i32 to vector<16xi32>
    %ne3A_174 = arith.cmpi ne, %rem3A_171, %ne3A_173 : vector<16xi32>
    %and3A_175 = arith.andi %ne3A_169, %ne3A_174 : vector<16xi1>
    %sub3A_176 = arith.constant 1 : i32
    %sub3A_177 = vector.broadcast %sub3A_176 : i32 to vector<16xi32>
    %sub3A_178 = arith.subi %div3A_151, %sub3A_177 : vector<16xi32>
    %select_n3A_179 = arith.select %and3A_175, %sub3A_178, %div3A_151 : vector<16xi1>, vector<16xi32>
    %mul3A_180 = arith.constant 1000 : i32
    %mul3A_181 = vector.broadcast %mul3A_180 : i32 to vector<16xi32>
    %mul3A_182 = arith.muli %select_n3A_179, %mul3A_181 : vector<16xi32>
    %add3A_183 = arith.addi %mul3A_182, %get3A_144 : vector<16xi32>
    tpu.vector_store_idx %arg7[%add3A_183], %broadcast_in_dim3A_70 : memref<32000xf32, #tpu.memory_space<vmem>>[vector<16xi32>], vector<16xf32>,
    %get3A_184 = arith.constant 48 : index
    %get3A_185 = tpu.vector_load %arg6[%get3A_184] {strides = array<i32>} : memref<320xi32, #tpu.memory_space<vmem>>, vector<16xi32>,
    %iota3A_186 = tpu.iota {dimensions = array<i32: 0>} : vector<16xi32>
    %add3A_187 = arith.constant 48 : i32
    %add3A_188 = vector.broadcast %add3A_187 : i32 to vector<16xi32>
    %add3A_189 = arith.addi %iota3A_186, %add3A_188 : vector<16xi32>
    %jit3A_190 = arith.constant 10 : i32
    %div3A_191 = vector.broadcast %jit3A_190 : i32 to vector<16xi32>
    %div3A_192 = arith.divsi %add3A_189, %div3A_191 : vector<16xi32>
    %sign3A_193 = arith.constant 0 : i32
    %sign3A_194 = vector.broadcast %sign3A_193 : i32 to vector<16xi32>
    %sign3A_195 = arith.cmpi sgt, %add3A_189, %sign3A_194 : vector<16xi32>
    %sign3A_196 = arith.extui %sign3A_195 : vector<16xi1> to vector<16xi32>
    %sign3A_197 = arith.constant 0 : i32
    %sign3A_198 = vector.broadcast %sign3A_197 : i32 to vector<16xi32>
    %sign3A_199 = arith.cmpi slt, %add3A_189, %sign3A_198 : vector<16xi32>
    %sign3A_200 = arith.extui %sign3A_199 : vector<16xi1> to vector<16xi32>
    %sign3A_201 = arith.subi %sign3A_196, %sign3A_200 : vector<16xi32>
    %sign3A_202 = arith.constant 0 : i32
    %sign3A_203 = arith.cmpi sgt, %jit3A_190, %sign3A_202 : i32
    %sign3A_204 = arith.extui %sign3A_203 : i1 to i32
    %sign3A_205 = arith.constant 0 : i32
    %sign3A_206 = arith.cmpi slt, %jit3A_190, %sign3A_205 : i32
    %sign3A_207 = arith.extui %sign3A_206 : i1 to i32
    %sign3A_208 = arith.subi %sign3A_204, %sign3A_207 : i32
    %ne3A_209 = vector.broadcast %sign3A_208 : i32 to vector<16xi32>
    %ne3A_210 = arith.cmpi ne, %sign3A_201, %ne3A_209 : vector<16xi32>
    %rem3A_211 = vector.broadcast %jit3A_190 : i32 to vector<16xi32>
    %rem3A_212 = arith.remsi %add3A_189, %rem3A_211 : vector<16xi32>
    %ne3A_213 = arith.constant 0 : i32
    %ne3A_214 = vector.broadcast %ne3A_213 : i32 to vector<16xi32>
    %ne3A_215 = arith.cmpi ne, %rem3A_212, %ne3A_214 : vector<16xi32>
    %and3A_216 = arith.andi %ne3A_210, %ne3A_215 : vector<16xi1>
    %sub3A_217 = arith.constant 1 : i32
    %sub3A_218 = vector.broadcast %sub3A_217 : i32 to vector<16xi32>
    %sub3A_219 = arith.subi %div3A_192, %sub3A_218 : vector<16xi32>
    %select_n3A_220 = arith.select %and3A_216, %sub3A_219, %div3A_192 : vector<16xi1>, vector<16xi32>
    %mul3A_221 = arith.constant 1000 : i32
    %mul3A_222 = vector.broadcast %mul3A_221 : i32 to vector<16xi32>
    %mul3A_223 = arith.muli %select_n3A_220, %mul3A_222 : vector<16xi32>
    %add3A_224 = arith.addi %mul3A_223, %get3A_185 : vector<16xi32>
    tpu.vector_store_idx %arg7[%add3A_224], %broadcast_in_dim3A_70 : memref<32000xf32, #tpu.memory_space<vmem>>[vector<16xi32>], vector<16xf32>,
    %get3A_225 = arith.constant 64 : index
    %get3A_226 = tpu.vector_load %arg6[%get3A_225] {strides = array<i32>} : memref<320xi32, #tpu.memory_space<vmem>>, vector<16xi32>,
    %iota3A_227 = tpu.iota {dimensions = array<i32: 0>} : vector<16xi32>
    %add3A_228 = arith.constant 64 : i32
    %add3A_229 = vector.broadcast %add3A_228 : i32 to vector<16xi32>
    %add3A_230 = arith.addi %iota3A_227, %add3A_229 : vector<16xi32>
    %jit3A_231 = arith.constant 10 : i32
    %div3A_232 = vector.broadcast %jit3A_231 : i32 to vector<16xi32>
    %div3A_233 = arith.divsi %add3A_230, %div3A_232 : vector<16xi32>
    %sign3A_234 = arith.constant 0 : i32
    %sign3A_235 = vector.broadcast %sign3A_234 : i32 to vector<16xi32>
    %sign3A_236 = arith.cmpi sgt, %add3A_230, %sign3A_235 : vector<16xi32>
    %sign3A_237 = arith.extui %sign3A_236 : vector<16xi1> to vector<16xi32>
    %sign3A_238 = arith.constant 0 : i32
    %sign3A_239 = vector.broadcast %sign3A_238 : i32 to vector<16xi32>
    %sign3A_240 = arith.cmpi slt, %add3A_230, %sign3A_239 : vector<16xi32>
    %sign3A_241 = arith.extui %sign3A_240 : vector<16xi1> to vector<16xi32>
    %sign3A_242 = arith.subi %sign3A_237, %sign3A_241 : vector<16xi32>
    %sign3A_243 = arith.constant 0 : i32
    %sign3A_244 = arith.cmpi sgt, %jit3A_231, %sign3A_243 : i32
    %sign3A_245 = arith.extui %sign3A_244 : i1 to i32
    %sign3A_246 = arith.constant 0 : i32
    %sign3A_247 = arith.cmpi slt, %jit3A_231, %sign3A_246 : i32
    %sign3A_248 = arith.extui %sign3A_247 : i1 to i32
    %sign3A_249 = arith.subi %sign3A_245, %sign3A_248 : i32
    %ne3A_250 = vector.broadcast %sign3A_249 : i32 to vector<16xi32>
    %ne3A_251 = arith.cmpi ne, %sign3A_242, %ne3A_250 : vector<16xi32>
    %rem3A_252 = vector.broadcast %jit3A_231 : i32 to vector<16xi32>
    %rem3A_253 = arith.remsi %add3A_230, %rem3A_252 : vector<16xi32>
    %ne3A_254 = arith.constant 0 : i32
    %ne3A_255 = vector.broadcast %ne3A_254 : i32 to vector<16xi32>
    %ne3A_256 = arith.cmpi ne, %rem3A_253, %ne3A_255 : vector<16xi32>
    %and3A_257 = arith.andi %ne3A_251, %ne3A_256 : vector<16xi1>
    %sub3A_258 = arith.constant 1 : i32
    %sub3A_259 = vector.broadcast %sub3A_258 : i32 to vector<16xi32>
    %sub3A_260 = arith.subi %div3A_233, %sub3A_259 : vector<16xi32>
    %select_n3A_261 = arith.select %and3A_257, %sub3A_260, %div3A_233 : vector<16xi1>, vector<16xi32>
    %mul3A_262 = arith.constant 1000 : i32
    %mul3A_263 = vector.broadcast %mul3A_262 : i32 to vector<16xi32>
    %mul3A_264 = arith.muli %select_n3A_261, %mul3A_263 : vector<16xi32>
    %add3A_265 = arith.addi %mul3A_264, %get3A_226 : vector<16xi32>
    tpu.vector_store_idx %arg7[%add3A_265], %broadcast_in_dim3A_70 : memref<32000xf32, #tpu.memory_space<vmem>>[vector<16xi32>], vector<16xf32>,
    %get3A_266 = arith.constant 80 : index
    %get3A_267 = tpu.vector_load %arg6[%get3A_266] {strides = array<i32>} : memref<320xi32, #tpu.memory_space<vmem>>, vector<16xi32>,
    %iota3A_268 = tpu.iota {dimensions = array<i32: 0>} : vector<16xi32>
    %add3A_269 = arith.constant 80 : i32
    %add3A_270 = vector.broadcast %add3A_269 : i32 to vector<16xi32>
    %add3A_271 = arith.addi %iota3A_268, %add3A_270 : vector<16xi32>
    %jit3A_272 = arith.constant 10 : i32
    %div3A_273 = vector.broadcast %jit3A_272 : i32 to vector<16xi32>
    %div3A_274 = arith.divsi %add3A_271, %div3A_273 : vector<16xi32>
    %sign3A_275 = arith.constant 0 : i32
    %sign3A_276 = vector.broadcast %sign3A_275 : i32 to vector<16xi32>
    %sign3A_277 = arith.cmpi sgt, %add3A_271, %sign3A_276 : vector<16xi32>
    %sign3A_278 = arith.extui %sign3A_277 : vector<16xi1> to vector<16xi32>
    %sign3A_279 = arith.constant 0 : i32
    %sign3A_280 = vector.broadcast %sign3A_279 : i32 to vector<16xi32>
    %sign3A_281 = arith.cmpi slt, %add3A_271, %sign3A_280 : vector<16xi32>
    %sign3A_282 = arith.extui %sign3A_281 : vector<16xi1> to vector<16xi32>
    %sign3A_283 = arith.subi %sign3A_278, %sign3A_282 : vector<16xi32>
    %sign3A_284 = arith.constant 0 : i32
    %sign3A_285 = arith.cmpi sgt, %jit3A_272, %sign3A_284 : i32
    %sign3A_286 = arith.extui %sign3A_285 : i1 to i32
    %sign3A_287 = arith.constant 0 : i32
    %sign3A_288 = arith.cmpi slt, %jit3A_272, %sign3A_287 : i32
    %sign3A_289 = arith.extui %sign3A_288 : i1 to i32
    %sign3A_290 = arith.subi %sign3A_286, %sign3A_289 : i32
    %ne3A_291 = vector.broadcast %sign3A_290 : i32 to vector<16xi32>
    %ne3A_292 = arith.cmpi ne, %sign3A_283, %ne3A_291 : vector<16xi32>
    %rem3A_293 = vector.broadcast %jit3A_272 : i32 to vector<16xi32>
    %rem3A_294 = arith.remsi %add3A_271, %rem3A_293 : vector<16xi32>
    %ne3A_295 = arith.constant 0 : i32
    %ne3A_296 = vector.broadcast %ne3A_295 : i32 to vector<16xi32>
    %ne3A_297 = arith.cmpi ne, %rem3A_294, %ne3A_296 : vector<16xi32>
    %and3A_298 = arith.andi %ne3A_292, %ne3A_297 : vector<16xi1>
    %sub3A_299 = arith.constant 1 : i32
    %sub3A_300 = vector.broadcast %sub3A_299 : i32 to vector<16xi32>
    %sub3A_301 = arith.subi %div3A_274, %sub3A_300 : vector<16xi32>
    %select_n3A_302 = arith.select %and3A_298, %sub3A_301, %div3A_274 : vector<16xi1>, vector<16xi32>
    %mul3A_303 = arith.constant 1000 : i32
    %mul3A_304 = vector.broadcast %mul3A_303 : i32 to vector<16xi32>
    %mul3A_305 = arith.muli %select_n3A_302, %mul3A_304 : vector<16xi32>
    %add3A_306 = arith.addi %mul3A_305, %get3A_267 : vector<16xi32>
    tpu.vector_store_idx %arg7[%add3A_306], %broadcast_in_dim3A_70 : memref<32000xf32, #tpu.memory_space<vmem>>[vector<16xi32>], vector<16xf32>,
    %get3A_307 = arith.constant 96 : index
    %get3A_308 = tpu.vector_load %arg6[%get3A_307] {strides = array<i32>} : memref<320xi32, #tpu.memory_space<vmem>>, vector<16xi32>,
    %iota3A_309 = tpu.iota {dimensions = array<i32: 0>} : vector<16xi32>
    %add3A_310 = arith.constant 96 : i32
    %add3A_311 = vector.broadcast %add3A_310 : i32 to vector<16xi32>
    %add3A_312 = arith.addi %iota3A_309, %add3A_311 : vector<16xi32>
    %jit3A_313 = arith.constant 10 : i32
    %div3A_314 = vector.broadcast %jit3A_313 : i32 to vector<16xi32>
    %div3A_315 = arith.divsi %add3A_312, %div3A_314 : vector<16xi32>
    %sign3A_316 = arith.constant 0 : i32
    %sign3A_317 = vector.broadcast %sign3A_316 : i32 to vector<16xi32>
    %sign3A_318 = arith.cmpi sgt, %add3A_312, %sign3A_317 : vector<16xi32>
    %sign3A_319 = arith.extui %sign3A_318 : vector<16xi1> to vector<16xi32>
    %sign3A_320 = arith.constant 0 : i32
    %sign3A_321 = vector.broadcast %sign3A_320 : i32 to vector<16xi32>
    %sign3A_322 = arith.cmpi slt, %add3A_312, %sign3A_321 : vector<16xi32>
    %sign3A_323 = arith.extui %sign3A_322 : vector<16xi1> to vector<16xi32>
    %sign3A_324 = arith.subi %sign3A_319, %sign3A_323 : vector<16xi32>
    %sign3A_325 = arith.constant 0 : i32
    %sign3A_326 = arith.cmpi sgt, %jit3A_313, %sign3A_325 : i32
    %sign3A_327 = arith.extui %sign3A_326 : i1 to i32
    %sign3A_328 = arith.constant 0 : i32
    %sign3A_329 = arith.cmpi slt, %jit3A_313, %sign3A_328 : i32
    %sign3A_330 = arith.extui %sign3A_329 : i1 to i32
    %sign3A_331 = arith.subi %sign3A_327, %sign3A_330 : i32
    %ne3A_332 = vector.broadcast %sign3A_331 : i32 to vector<16xi32>
    %ne3A_333 = arith.cmpi ne, %sign3A_324, %ne3A_332 : vector<16xi32>
    %rem3A_334 = vector.broadcast %jit3A_313 : i32 to vector<16xi32>
    %rem3A_335 = arith.remsi %add3A_312, %rem3A_334 : vector<16xi32>
    %ne3A_336 = arith.constant 0 : i32
    %ne3A_337 = vector.broadcast %ne3A_336 : i32 to vector<16xi32>
    %ne3A_338 = arith.cmpi ne, %rem3A_335, %ne3A_337 : vector<16xi32>
    %and3A_339 = arith.andi %ne3A_333, %ne3A_338 : vector<16xi1>
    %sub3A_340 = arith.constant 1 : i32
    %sub3A_341 = vector.broadcast %sub3A_340 : i32 to vector<16xi32>
    %sub3A_342 = arith.subi %div3A_315, %sub3A_341 : vector<16xi32>
    %select_n3A_343 = arith.select %and3A_339, %sub3A_342, %div3A_315 : vector<16xi1>, vector<16xi32>
    %mul3A_344 = arith.constant 1000 : i32
    %mul3A_345 = vector.broadcast %mul3A_344 : i32 to vector<16xi32>
    %mul3A_346 = arith.muli %select_n3A_343, %mul3A_345 : vector<16xi32>
    %add3A_347 = arith.addi %mul3A_346, %get3A_308 : vector<16xi32>
    tpu.vector_store_idx %arg7[%add3A_347], %broadcast_in_dim3A_70 : memref<32000xf32, #tpu.memory_space<vmem>>[vector<16xi32>], vector<16xf32>,
    %get3A_348 = arith.constant 112 : index
    %get3A_349 = tpu.vector_load %arg6[%get3A_348] {strides = array<i32>} : memref<320xi32, #tpu.memory_space<vmem>>, vector<16xi32>,
    %iota3A_350 = tpu.iota {dimensions = array<i32: 0>} : vector<16xi32>
    %add3A_351 = arith.constant 112 : i32
    %add3A_352 = vector.broadcast %add3A_351 : i32 to vector<16xi32>
    %add3A_353 = arith.addi %iota3A_350, %add3A_352 : vector<16xi32>
    %jit3A_354 = arith.constant 10 : i32
    %div3A_355 = vector.broadcast %jit3A_354 : i32 to vector<16xi32>
    %div3A_356 = arith.divsi %add3A_353, %div3A_355 : vector<16xi32>
    %sign3A_357 = arith.constant 0 : i32
    %sign3A_358 = vector.broadcast %sign3A_357 : i32 to vector<16xi32>
    %sign3A_359 = arith.cmpi sgt, %add3A_353, %sign3A_358 : vector<16xi32>
    %sign3A_360 = arith.extui %sign3A_359 : vector<16xi1> to vector<16xi32>
    %sign3A_361 = arith.constant 0 : i32
    %sign3A_362 = vector.broadcast %sign3A_361 : i32 to vector<16xi32>
    %sign3A_363 = arith.cmpi slt, %add3A_353, %sign3A_362 : vector<16xi32>
    %sign3A_364 = arith.extui %sign3A_363 : vector<16xi1> to vector<16xi32>
    %sign3A_365 = arith.subi %sign3A_360, %sign3A_364 : vector<16xi32>
    %sign3A_366 = arith.constant 0 : i32
    %sign3A_367 = arith.cmpi sgt, %jit3A_354, %sign3A_366 : i32
    %sign3A_368 = arith.extui %sign3A_367 : i1 to i32
    %sign3A_369 = arith.constant 0 : i32
    %sign3A_370 = arith.cmpi slt, %jit3A_354, %sign3A_369 : i32
    %sign3A_371 = arith.extui %sign3A_370 : i1 to i32
    %sign3A_372 = arith.subi %sign3A_368, %sign3A_371 : i32
    %ne3A_373 = vector.broadcast %sign3A_372 : i32 to vector<16xi32>
    %ne3A_374 = arith.cmpi ne, %sign3A_365, %ne3A_373 : vector<16xi32>
    %rem3A_375 = vector.broadcast %jit3A_354 : i32 to vector<16xi32>
    %rem3A_376 = arith.remsi %add3A_353, %rem3A_375 : vector<16xi32>
    %ne3A_377 = arith.constant 0 : i32
    %ne3A_378 = vector.broadcast %ne3A_377 : i32 to vector<16xi32>
    %ne3A_379 = arith.cmpi ne, %rem3A_376, %ne3A_378 : vector<16xi32>
    %and3A_380 = arith.andi %ne3A_374, %ne3A_379 : vector<16xi1>
    %sub3A_381 = arith.constant 1 : i32
    %sub3A_382 = vector.broadcast %sub3A_381 : i32 to vector<16xi32>
    %sub3A_383 = arith.subi %div3A_356, %sub3A_382 : vector<16xi32>
    %select_n3A_384 = arith.select %and3A_380, %sub3A_383, %div3A_356 : vector<16xi1>, vector<16xi32>
    %mul3A_385 = arith.constant 1000 : i32
    %mul3A_386 = vector.broadcast %mul3A_385 : i32 to vector<16xi32>
    %mul3A_387 = arith.muli %select_n3A_384, %mul3A_386 : vector<16xi32>
    %add3A_388 = arith.addi %mul3A_387, %get3A_349 : vector<16xi32>
    tpu.vector_store_idx %arg7[%add3A_388], %broadcast_in_dim3A_70 : memref<32000xf32, #tpu.memory_space<vmem>>[vector<16xi32>], vector<16xf32>,
    %get3A_389 = arith.constant 128 : index
    %get3A_390 = tpu.vector_load %arg6[%get3A_389] {strides = array<i32>} : memref<320xi32, #tpu.memory_space<vmem>>, vector<16xi32>,
    %iota3A_391 = tpu.iota {dimensions = array<i32: 0>} : vector<16xi32>
    %add3A_392 = arith.constant 128 : i32
    %add3A_393 = vector.broadcast %add3A_392 : i32 to vector<16xi32>
    %add3A_394 = arith.addi %iota3A_391, %add3A_393 : vector<16xi32>
    %jit3A_395 = arith.constant 10 : i32
    %div3A_396 = vector.broadcast %jit3A_395 : i32 to vector<16xi32>
    %div3A_397 = arith.divsi %add3A_394, %div3A_396 : vector<16xi32>
    %sign3A_398 = arith.constant 0 : i32
    %sign3A_399 = vector.broadcast %sign3A_398 : i32 to vector<16xi32>
    %sign3A_400 = arith.cmpi sgt, %add3A_394, %sign3A_399 : vector<16xi32>
    %sign3A_401 = arith.extui %sign3A_400 : vector<16xi1> to vector<16xi32>
    %sign3A_402 = arith.constant 0 : i32
    %sign3A_403 = vector.broadcast %sign3A_402 : i32 to vector<16xi32>
    %sign3A_404 = arith.cmpi slt, %add3A_394, %sign3A_403 : vector<16xi32>
    %sign3A_405 = arith.extui %sign3A_404 : vector<16xi1> to vector<16xi32>
    %sign3A_406 = arith.subi %sign3A_401, %sign3A_405 : vector<16xi32>
    %sign3A_407 = arith.constant 0 : i32
    %sign3A_408 = arith.cmpi sgt, %jit3A_395, %sign3A_407 : i32
    %sign3A_409 = arith.extui %sign3A_408 : i1 to i32
    %sign3A_410 = arith.constant 0 : i32
    %sign3A_411 = arith.cmpi slt, %jit3A_395, %sign3A_410 : i32
    %sign3A_412 = arith.extui %sign3A_411 : i1 to i32
    %sign3A_413 = arith.subi %sign3A_409, %sign3A_412 : i32
    %ne3A_414 = vector.broadcast %sign3A_413 : i32 to vector<16xi32>
    %ne3A_415 = arith.cmpi ne, %sign3A_406, %ne3A_414 : vector<16xi32>
    %rem3A_416 = vector.broadcast %jit3A_395 : i32 to vector<16xi32>
    %rem3A_417 = arith.remsi %add3A_394, %rem3A_416 : vector<16xi32>
    %ne3A_418 = arith.constant 0 : i32
    %ne3A_419 = vector.broadcast %ne3A_418 : i32 to vector<16xi32>
    %ne3A_420 = arith.cmpi ne, %rem3A_417, %ne3A_419 : vector<16xi32>
    %and3A_421 = arith.andi %ne3A_415, %ne3A_420 : vector<16xi1>
    %sub3A_422 = arith.constant 1 : i32
    %sub3A_423 = vector.broadcast %sub3A_422 : i32 to vector<16xi32>
    %sub3A_424 = arith.subi %div3A_397, %sub3A_423 : vector<16xi32>
    %select_n3A_425 = arith.select %and3A_421, %sub3A_424, %div3A_397 : vector<16xi1>, vector<16xi32>
    %mul3A_426 = arith.constant 1000 : i32
    %mul3A_427 = vector.broadcast %mul3A_426 : i32 to vector<16xi32>
    %mul3A_428 = arith.muli %select_n3A_425, %mul3A_427 : vector<16xi32>
    %add3A_429 = arith.addi %mul3A_428, %get3A_390 : vector<16xi32>
    tpu.vector_store_idx %arg7[%add3A_429], %broadcast_in_dim3A_70 : memref<32000xf32, #tpu.memory_space<vmem>>[vector<16xi32>], vector<16xf32>,
    %get3A_430 = arith.constant 144 : index
    %get3A_431 = tpu.vector_load %arg6[%get3A_430] {strides = array<i32>} : memref<320xi32, #tpu.memory_space<vmem>>, vector<16xi32>,
    %iota3A_432 = tpu.iota {dimensions = array<i32: 0>} : vector<16xi32>
    %add3A_433 = arith.constant 144 : i32
    %add3A_434 = vector.broadcast %add3A_433 : i32 to vector<16xi32>
    %add3A_435 = arith.addi %iota3A_432, %add3A_434 : vector<16xi32>
    %jit3A_436 = arith.constant 10 : i32
    %div3A_437 = vector.broadcast %jit3A_436 : i32 to vector<16xi32>
    %div3A_438 = arith.divsi %add3A_435, %div3A_437 : vector<16xi32>
    %sign3A_439 = arith.constant 0 : i32
    %sign3A_440 = vector.broadcast %sign3A_439 : i32 to vector<16xi32>
    %sign3A_441 = arith.cmpi sgt, %add3A_435, %sign3A_440 : vector<16xi32>
    %sign3A_442 = arith.extui %sign3A_441 : vector<16xi1> to vector<16xi32>
    %sign3A_443 = arith.constant 0 : i32
    %sign3A_444 = vector.broadcast %sign3A_443 : i32 to vector<16xi32>
    %sign3A_445 = arith.cmpi slt, %add3A_435, %sign3A_444 : vector<16xi32>
    %sign3A_446 = arith.extui %sign3A_445 : vector<16xi1> to vector<16xi32>
    %sign3A_447 = arith.subi %sign3A_442, %sign3A_446 : vector<16xi32>
    %sign3A_448 = arith.constant 0 : i32
    %sign3A_449 = arith.cmpi sgt, %jit3A_436, %sign3A_448 : i32
    %sign3A_450 = arith.extui %sign3A_449 : i1 to i32
    %sign3A_451 = arith.constant 0 : i32
    %sign3A_452 = arith.cmpi slt, %jit3A_436, %sign3A_451 : i32
    %sign3A_453 = arith.extui %sign3A_452 : i1 to i32
    %sign3A_454 = arith.subi %sign3A_450, %sign3A_453 : i32
    %ne3A_455 = vector.broadcast %sign3A_454 : i32 to vector<16xi32>
    %ne3A_456 = arith.cmpi ne, %sign3A_447, %ne3A_455 : vector<16xi32>
    %rem3A_457 = vector.broadcast %jit3A_436 : i32 to vector<16xi32>
    %rem3A_458 = arith.remsi %add3A_435, %rem3A_457 : vector<16xi32>
    %ne3A_459 = arith.constant 0 : i32
    %ne3A_460 = vector.broadcast %ne3A_459 : i32 to vector<16xi32>
    %ne3A_461 = arith.cmpi ne, %rem3A_458, %ne3A_460 : vector<16xi32>
    %and3A_462 = arith.andi %ne3A_456, %ne3A_461 : vector<16xi1>
    %sub3A_463 = arith.constant 1 : i32
    %sub3A_464 = vector.broadcast %sub3A_463 : i32 to vector<16xi32>
    %sub3A_465 = arith.subi %div3A_438, %sub3A_464 : vector<16xi32>
    %select_n3A_466 = arith.select %and3A_462, %sub3A_465, %div3A_438 : vector<16xi1>, vector<16xi32>
    %mul3A_467 = arith.constant 1000 : i32
    %mul3A_468 = vector.broadcast %mul3A_467 : i32 to vector<16xi32>
    %mul3A_469 = arith.muli %select_n3A_466, %mul3A_468 : vector<16xi32>
    %add3A_470 = arith.addi %mul3A_469, %get3A_431 : vector<16xi32>
    tpu.vector_store_idx %arg7[%add3A_470], %broadcast_in_dim3A_70 : memref<32000xf32, #tpu.memory_space<vmem>>[vector<16xi32>], vector<16xf32>,
    %get3A_471 = arith.constant 160 : index
    %get3A_472 = tpu.vector_load %arg6[%get3A_471] {strides = array<i32>} : memref<320xi32, #tpu.memory_space<vmem>>, vector<16xi32>,
    %iota3A_473 = tpu.iota {dimensions = array<i32: 0>} : vector<16xi32>
    %add3A_474 = arith.constant 160 : i32
    %add3A_475 = vector.broadcast %add3A_474 : i32 to vector<16xi32>
    %add3A_476 = arith.addi %iota3A_473, %add3A_475 : vector<16xi32>
    %jit3A_477 = arith.constant 10 : i32
    %div3A_478 = vector.broadcast %jit3A_477 : i32 to vector<16xi32>
    %div3A_479 = arith.divsi %add3A_476, %div3A_478 : vector<16xi32>
    %sign3A_480 = arith.constant 0 : i32
    %sign3A_481 = vector.broadcast %sign3A_480 : i32 to vector<16xi32>
    %sign3A_482 = arith.cmpi sgt, %add3A_476, %sign3A_481 : vector<16xi32>
    %sign3A_483 = arith.extui %sign3A_482 : vector<16xi1> to vector<16xi32>
    %sign3A_484 = arith.constant 0 : i32
    %sign3A_485 = vector.broadcast %sign3A_484 : i32 to vector<16xi32>
    %sign3A_486 = arith.cmpi slt, %add3A_476, %sign3A_485 : vector<16xi32>
    %sign3A_487 = arith.extui %sign3A_486 : vector<16xi1> to vector<16xi32>
    %sign3A_488 = arith.subi %sign3A_483, %sign3A_487 : vector<16xi32>
    %sign3A_489 = arith.constant 0 : i32
    %sign3A_490 = arith.cmpi sgt, %jit3A_477, %sign3A_489 : i32
    %sign3A_491 = arith.extui %sign3A_490 : i1 to i32
    %sign3A_492 = arith.constant 0 : i32
    %sign3A_493 = arith.cmpi slt, %jit3A_477, %sign3A_492 : i32
    %sign3A_494 = arith.extui %sign3A_493 : i1 to i32
    %sign3A_495 = arith.subi %sign3A_491, %sign3A_494 : i32
    %ne3A_496 = vector.broadcast %sign3A_495 : i32 to vector<16xi32>
    %ne3A_497 = arith.cmpi ne, %sign3A_488, %ne3A_496 : vector<16xi32>
    %rem3A_498 = vector.broadcast %jit3A_477 : i32 to vector<16xi32>
    %rem3A_499 = arith.remsi %add3A_476, %rem3A_498 : vector<16xi32>
    %ne3A_500 = arith.constant 0 : i32
    %ne3A_501 = vector.broadcast %ne3A_500 : i32 to vector<16xi32>
    %ne3A_502 = arith.cmpi ne, %rem3A_499, %ne3A_501 : vector<16xi32>
    %and3A_503 = arith.andi %ne3A_497, %ne3A_502 : vector<16xi1>
    %sub3A_504 = arith.constant 1 : i32
    %sub3A_505 = vector.broadcast %sub3A_504 : i32 to vector<16xi32>
    %sub3A_506 = arith.subi %div3A_479, %sub3A_505 : vector<16xi32>
    %select_n3A_507 = arith.select %and3A_503, %sub3A_506, %div3A_479 : vector<16xi1>, vector<16xi32>
    %mul3A_508 = arith.constant 1000 : i32
    %mul3A_509 = vector.broadcast %mul3A_508 : i32 to vector<16xi32>
    %mul3A_510 = arith.muli %select_n3A_507, %mul3A_509 : vector<16xi32>
    %add3A_511 = arith.addi %mul3A_510, %get3A_472 : vector<16xi32>
    tpu.vector_store_idx %arg7[%add3A_511], %broadcast_in_dim3A_70 : memref<32000xf32, #tpu.memory_space<vmem>>[vector<16xi32>], vector<16xf32>,
    %get3A_512 = arith.constant 176 : index
    %get3A_513 = tpu.vector_load %arg6[%get3A_512] {strides = array<i32>} : memref<320xi32, #tpu.memory_space<vmem>>, vector<16xi32>,
    %iota3A_514 = tpu.iota {dimensions = array<i32: 0>} : vector<16xi32>
    %add3A_515 = arith.constant 176 : i32
    %add3A_516 = vector.broadcast %add3A_515 : i32 to vector<16xi32>
    %add3A_517 = arith.addi %iota3A_514, %add3A_516 : vector<16xi32>
    %jit3A_518 = arith.constant 10 : i32
    %div3A_519 = vector.broadcast %jit3A_518 : i32 to vector<16xi32>
    %div3A_520 = arith.divsi %add3A_517, %div3A_519 : vector<16xi32>
    %sign3A_521 = arith.constant 0 : i32
    %sign3A_522 = vector.broadcast %sign3A_521 : i32 to vector<16xi32>
    %sign3A_523 = arith.cmpi sgt, %add3A_517, %sign3A_522 : vector<16xi32>
    %sign3A_524 = arith.extui %sign3A_523 : vector<16xi1> to vector<16xi32>
    %sign3A_525 = arith.constant 0 : i32
    %sign3A_526 = vector.broadcast %sign3A_525 : i32 to vector<16xi32>
    %sign3A_527 = arith.cmpi slt, %add3A_517, %sign3A_526 : vector<16xi32>
    %sign3A_528 = arith.extui %sign3A_527 : vector<16xi1> to vector<16xi32>
    %sign3A_529 = arith.subi %sign3A_524, %sign3A_528 : vector<16xi32>
    %sign3A_530 = arith.constant 0 : i32
    %sign3A_531 = arith.cmpi sgt, %jit3A_518, %sign3A_530 : i32
    %sign3A_532 = arith.extui %sign3A_531 : i1 to i32
    %sign3A_533 = arith.constant 0 : i32
    %sign3A_534 = arith.cmpi slt, %jit3A_518, %sign3A_533 : i32
    %sign3A_535 = arith.extui %sign3A_534 : i1 to i32
    %sign3A_536 = arith.subi %sign3A_532, %sign3A_535 : i32
    %ne3A_537 = vector.broadcast %sign3A_536 : i32 to vector<16xi32>
    %ne3A_538 = arith.cmpi ne, %sign3A_529, %ne3A_537 : vector<16xi32>
    %rem3A_539 = vector.broadcast %jit3A_518 : i32 to vector<16xi32>
    %rem3A_540 = arith.remsi %add3A_517, %rem3A_539 : vector<16xi32>
    %ne3A_541 = arith.constant 0 : i32
    %ne3A_542 = vector.broadcast %ne3A_541 : i32 to vector<16xi32>
    %ne3A_543 = arith.cmpi ne, %rem3A_540, %ne3A_542 : vector<16xi32>
    %and3A_544 = arith.andi %ne3A_538, %ne3A_543 : vector<16xi1>
    %sub3A_545 = arith.constant 1 : i32
    %sub3A_546 = vector.broadcast %sub3A_545 : i32 to vector<16xi32>
    %sub3A_547 = arith.subi %div3A_520, %sub3A_546 : vector<16xi32>
    %select_n3A_548 = arith.select %and3A_544, %sub3A_547, %div3A_520 : vector<16xi1>, vector<16xi32>
    %mul3A_549 = arith.constant 1000 : i32
    %mul3A_550 = vector.broadcast %mul3A_549 : i32 to vector<16xi32>
    %mul3A_551 = arith.muli %select_n3A_548, %mul3A_550 : vector<16xi32>
    %add3A_552 = arith.addi %mul3A_551, %get3A_513 : vector<16xi32>
    tpu.vector_store_idx %arg7[%add3A_552], %broadcast_in_dim3A_70 : memref<32000xf32, #tpu.memory_space<vmem>>[vector<16xi32>], vector<16xf32>,
    %get3A_553 = arith.constant 192 : index
    %get3A_554 = tpu.vector_load %arg6[%get3A_553] {strides = array<i32>} : memref<320xi32, #tpu.memory_space<vmem>>, vector<16xi32>,
    %iota3A_555 = tpu.iota {dimensions = array<i32: 0>} : vector<16xi32>
    %add3A_556 = arith.constant 192 : i32
    %add3A_557 = vector.broadcast %add3A_556 : i32 to vector<16xi32>
    %add3A_558 = arith.addi %iota3A_555, %add3A_557 : vector<16xi32>
    %jit3A_559 = arith.constant 10 : i32
    %div3A_560 = vector.broadcast %jit3A_559 : i32 to vector<16xi32>
    %div3A_561 = arith.divsi %add3A_558, %div3A_560 : vector<16xi32>
    %sign3A_562 = arith.constant 0 : i32
    %sign3A_563 = vector.broadcast %sign3A_562 : i32 to vector<16xi32>
    %sign3A_564 = arith.cmpi sgt, %add3A_558, %sign3A_563 : vector<16xi32>
    %sign3A_565 = arith.extui %sign3A_564 : vector<16xi1> to vector<16xi32>
    %sign3A_566 = arith.constant 0 : i32
    %sign3A_567 = vector.broadcast %sign3A_566 : i32 to vector<16xi32>
    %sign3A_568 = arith.cmpi slt, %add3A_558, %sign3A_567 : vector<16xi32>
    %sign3A_569 = arith.extui %sign3A_568 : vector<16xi1> to vector<16xi32>
    %sign3A_570 = arith.subi %sign3A_565, %sign3A_569 : vector<16xi32>
    %sign3A_571 = arith.constant 0 : i32
    %sign3A_572 = arith.cmpi sgt, %jit3A_559, %sign3A_571 : i32
    %sign3A_573 = arith.extui %sign3A_572 : i1 to i32
    %sign3A_574 = arith.constant 0 : i32
    %sign3A_575 = arith.cmpi slt, %jit3A_559, %sign3A_574 : i32
    %sign3A_576 = arith.extui %sign3A_575 : i1 to i32
    %sign3A_577 = arith.subi %sign3A_573, %sign3A_576 : i32
    %ne3A_578 = vector.broadcast %sign3A_577 : i32 to vector<16xi32>
    %ne3A_579 = arith.cmpi ne, %sign3A_570, %ne3A_578 : vector<16xi32>
    %rem3A_580 = vector.broadcast %jit3A_559 : i32 to vector<16xi32>
    %rem3A_581 = arith.remsi %add3A_558, %rem3A_580 : vector<16xi32>
    %ne3A_582 = arith.constant 0 : i32
    %ne3A_583 = vector.broadcast %ne3A_582 : i32 to vector<16xi32>
    %ne3A_584 = arith.cmpi ne, %rem3A_581, %ne3A_583 : vector<16xi32>
    %and3A_585 = arith.andi %ne3A_579, %ne3A_584 : vector<16xi1>
    %sub3A_586 = arith.constant 1 : i32
    %sub3A_587 = vector.broadcast %sub3A_586 : i32 to vector<16xi32>
    %sub3A_588 = arith.subi %div3A_561, %sub3A_587 : vector<16xi32>
    %select_n3A_589 = arith.select %and3A_585, %sub3A_588, %div3A_561 : vector<16xi1>, vector<16xi32>
    %mul3A_590 = arith.constant 1000 : i32
    %mul3A_591 = vector.broadcast %mul3A_590 : i32 to vector<16xi32>
    %mul3A_592 = arith.muli %select_n3A_589, %mul3A_591 : vector<16xi32>
    %add3A_593 = arith.addi %mul3A_592, %get3A_554 : vector<16xi32>
    tpu.vector_store_idx %arg7[%add3A_593], %broadcast_in_dim3A_70 : memref<32000xf32, #tpu.memory_space<vmem>>[vector<16xi32>], vector<16xf32>,
    %get3A_594 = arith.constant 208 : index
    %get3A_595 = tpu.vector_load %arg6[%get3A_594] {strides = array<i32>} : memref<320xi32, #tpu.memory_space<vmem>>, vector<16xi32>,
    %iota3A_596 = tpu.iota {dimensions = array<i32: 0>} : vector<16xi32>
    %add3A_597 = arith.constant 208 : i32
    %add3A_598 = vector.broadcast %add3A_597 : i32 to vector<16xi32>
    %add3A_599 = arith.addi %iota3A_596, %add3A_598 : vector<16xi32>
    %jit3A_600 = arith.constant 10 : i32
    %div3A_601 = vector.broadcast %jit3A_600 : i32 to vector<16xi32>
    %div3A_602 = arith.divsi %add3A_599, %div3A_601 : vector<16xi32>
    %sign3A_603 = arith.constant 0 : i32
    %sign3A_604 = vector.broadcast %sign3A_603 : i32 to vector<16xi32>
    %sign3A_605 = arith.cmpi sgt, %add3A_599, %sign3A_604 : vector<16xi32>
    %sign3A_606 = arith.extui %sign3A_605 : vector<16xi1> to vector<16xi32>
    %sign3A_607 = arith.constant 0 : i32
    %sign3A_608 = vector.broadcast %sign3A_607 : i32 to vector<16xi32>
    %sign3A_609 = arith.cmpi slt, %add3A_599, %sign3A_608 : vector<16xi32>
    %sign3A_610 = arith.extui %sign3A_609 : vector<16xi1> to vector<16xi32>
    %sign3A_611 = arith.subi %sign3A_606, %sign3A_610 : vector<16xi32>
    %sign3A_612 = arith.constant 0 : i32
    %sign3A_613 = arith.cmpi sgt, %jit3A_600, %sign3A_612 : i32
    %sign3A_614 = arith.extui %sign3A_613 : i1 to i32
    %sign3A_615 = arith.constant 0 : i32
    %sign3A_616 = arith.cmpi slt, %jit3A_600, %sign3A_615 : i32
    %sign3A_617 = arith.extui %sign3A_616 : i1 to i32
    %sign3A_618 = arith.subi %sign3A_614, %sign3A_617 : i32
    %ne3A_619 = vector.broadcast %sign3A_618 : i32 to vector<16xi32>
    %ne3A_620 = arith.cmpi ne, %sign3A_611, %ne3A_619 : vector<16xi32>
    %rem3A_621 = vector.broadcast %jit3A_600 : i32 to vector<16xi32>
    %rem3A_622 = arith.remsi %add3A_599, %rem3A_621 : vector<16xi32>
    %ne3A_623 = arith.constant 0 : i32
    %ne3A_624 = vector.broadcast %ne3A_623 : i32 to vector<16xi32>
    %ne3A_625 = arith.cmpi ne, %rem3A_622, %ne3A_624 : vector<16xi32>
    %and3A_626 = arith.andi %ne3A_620, %ne3A_625 : vector<16xi1>
    %sub3A_627 = arith.constant 1 : i32
    %sub3A_628 = vector.broadcast %sub3A_627 : i32 to vector<16xi32>
    %sub3A_629 = arith.subi %div3A_602, %sub3A_628 : vector<16xi32>
    %select_n3A_630 = arith.select %and3A_626, %sub3A_629, %div3A_602 : vector<16xi1>, vector<16xi32>
    %mul3A_631 = arith.constant 1000 : i32
    %mul3A_632 = vector.broadcast %mul3A_631 : i32 to vector<16xi32>
    %mul3A_633 = arith.muli %select_n3A_630, %mul3A_632 : vector<16xi32>
    %add3A_634 = arith.addi %mul3A_633, %get3A_595 : vector<16xi32>
    tpu.vector_store_idx %arg7[%add3A_634], %broadcast_in_dim3A_70 : memref<32000xf32, #tpu.memory_space<vmem>>[vector<16xi32>], vector<16xf32>,
    %get3A_635 = arith.constant 224 : index
    %get3A_636 = tpu.vector_load %arg6[%get3A_635] {strides = array<i32>} : memref<320xi32, #tpu.memory_space<vmem>>, vector<16xi32>,
    %iota3A_637 = tpu.iota {dimensions = array<i32: 0>} : vector<16xi32>
    %add3A_638 = arith.constant 224 : i32
    %add3A_639 = vector.broadcast %add3A_638 : i32 to vector<16xi32>
    %add3A_640 = arith.addi %iota3A_637, %add3A_639 : vector<16xi32>
    %jit3A_641 = arith.constant 10 : i32
    %div3A_642 = vector.broadcast %jit3A_641 : i32 to vector<16xi32>
    %div3A_643 = arith.divsi %add3A_640, %div3A_642 : vector<16xi32>
    %sign3A_644 = arith.constant 0 : i32
    %sign3A_645 = vector.broadcast %sign3A_644 : i32 to vector<16xi32>
    %sign3A_646 = arith.cmpi sgt, %add3A_640, %sign3A_645 : vector<16xi32>
    %sign3A_647 = arith.extui %sign3A_646 : vector<16xi1> to vector<16xi32>
    %sign3A_648 = arith.constant 0 : i32
    %sign3A_649 = vector.broadcast %sign3A_648 : i32 to vector<16xi32>
    %sign3A_650 = arith.cmpi slt, %add3A_640, %sign3A_649 : vector<16xi32>
    %sign3A_651 = arith.extui %sign3A_650 : vector<16xi1> to vector<16xi32>
    %sign3A_652 = arith.subi %sign3A_647, %sign3A_651 : vector<16xi32>
    %sign3A_653 = arith.constant 0 : i32
    %sign3A_654 = arith.cmpi sgt, %jit3A_641, %sign3A_653 : i32
    %sign3A_655 = arith.extui %sign3A_654 : i1 to i32
    %sign3A_656 = arith.constant 0 : i32
    %sign3A_657 = arith.cmpi slt, %jit3A_641, %sign3A_656 : i32
    %sign3A_658 = arith.extui %sign3A_657 : i1 to i32
    %sign3A_659 = arith.subi %sign3A_655, %sign3A_658 : i32
    %ne3A_660 = vector.broadcast %sign3A_659 : i32 to vector<16xi32>
    %ne3A_661 = arith.cmpi ne, %sign3A_652, %ne3A_660 : vector<16xi32>
    %rem3A_662 = vector.broadcast %jit3A_641 : i32 to vector<16xi32>
    %rem3A_663 = arith.remsi %add3A_640, %rem3A_662 : vector<16xi32>
    %ne3A_664 = arith.constant 0 : i32
    %ne3A_665 = vector.broadcast %ne3A_664 : i32 to vector<16xi32>
    %ne3A_666 = arith.cmpi ne, %rem3A_663, %ne3A_665 : vector<16xi32>
    %and3A_667 = arith.andi %ne3A_661, %ne3A_666 : vector<16xi1>
    %sub3A_668 = arith.constant 1 : i32
    %sub3A_669 = vector.broadcast %sub3A_668 : i32 to vector<16xi32>
    %sub3A_670 = arith.subi %div3A_643, %sub3A_669 : vector<16xi32>
    %select_n3A_671 = arith.select %and3A_667, %sub3A_670, %div3A_643 : vector<16xi1>, vector<16xi32>
    %mul3A_672 = arith.constant 1000 : i32
    %mul3A_673 = vector.broadcast %mul3A_672 : i32 to vector<16xi32>
    %mul3A_674 = arith.muli %select_n3A_671, %mul3A_673 : vector<16xi32>
    %add3A_675 = arith.addi %mul3A_674, %get3A_636 : vector<16xi32>
    tpu.vector_store_idx %arg7[%add3A_675], %broadcast_in_dim3A_70 : memref<32000xf32, #tpu.memory_space<vmem>>[vector<16xi32>], vector<16xf32>,
    %get3A_676 = arith.constant 240 : index
    %get3A_677 = tpu.vector_load %arg6[%get3A_676] {strides = array<i32>} : memref<320xi32, #tpu.memory_space<vmem>>, vector<16xi32>,
    %iota3A_678 = tpu.iota {dimensions = array<i32: 0>} : vector<16xi32>
    %add3A_679 = arith.constant 240 : i32
    %add3A_680 = vector.broadcast %add3A_679 : i32 to vector<16xi32>
    %add3A_681 = arith.addi %iota3A_678, %add3A_680 : vector<16xi32>
    %jit3A_682 = arith.constant 10 : i32
    %div3A_683 = vector.broadcast %jit3A_682 : i32 to vector<16xi32>
    %div3A_684 = arith.divsi %add3A_681, %div3A_683 : vector<16xi32>
    %sign3A_685 = arith.constant 0 : i32
    %sign3A_686 = vector.broadcast %sign3A_685 : i32 to vector<16xi32>
    %sign3A_687 = arith.cmpi sgt, %add3A_681, %sign3A_686 : vector<16xi32>
    %sign3A_688 = arith.extui %sign3A_687 : vector<16xi1> to vector<16xi32>
    %sign3A_689 = arith.constant 0 : i32
    %sign3A_690 = vector.broadcast %sign3A_689 : i32 to vector<16xi32>
    %sign3A_691 = arith.cmpi slt, %add3A_681, %sign3A_690 : vector<16xi32>
    %sign3A_692 = arith.extui %sign3A_691 : vector<16xi1> to vector<16xi32>
    %sign3A_693 = arith.subi %sign3A_688, %sign3A_692 : vector<16xi32>
    %sign3A_694 = arith.constant 0 : i32
    %sign3A_695 = arith.cmpi sgt, %jit3A_682, %sign3A_694 : i32
    %sign3A_696 = arith.extui %sign3A_695 : i1 to i32
    %sign3A_697 = arith.constant 0 : i32
    %sign3A_698 = arith.cmpi slt, %jit3A_682, %sign3A_697 : i32
    %sign3A_699 = arith.extui %sign3A_698 : i1 to i32
    %sign3A_700 = arith.subi %sign3A_696, %sign3A_699 : i32
    %ne3A_701 = vector.broadcast %sign3A_700 : i32 to vector<16xi32>
    %ne3A_702 = arith.cmpi ne, %sign3A_693, %ne3A_701 : vector<16xi32>
    %rem3A_703 = vector.broadcast %jit3A_682 : i32 to vector<16xi32>
    %rem3A_704 = arith.remsi %add3A_681, %rem3A_703 : vector<16xi32>
    %ne3A_705 = arith.constant 0 : i32
    %ne3A_706 = vector.broadcast %ne3A_705 : i32 to vector<16xi32>
    %ne3A_707 = arith.cmpi ne, %rem3A_704, %ne3A_706 : vector<16xi32>
    %and3A_708 = arith.andi %ne3A_702, %ne3A_707 : vector<16xi1>
    %sub3A_709 = arith.constant 1 : i32
    %sub3A_710 = vector.broadcast %sub3A_709 : i32 to vector<16xi32>
    %sub3A_711 = arith.subi %div3A_684, %sub3A_710 : vector<16xi32>
    %select_n3A_712 = arith.select %and3A_708, %sub3A_711, %div3A_684 : vector<16xi1>, vector<16xi32>
    %mul3A_713 = arith.constant 1000 : i32
    %mul3A_714 = vector.broadcast %mul3A_713 : i32 to vector<16xi32>
    %mul3A_715 = arith.muli %select_n3A_712, %mul3A_714 : vector<16xi32>
    %add3A_716 = arith.addi %mul3A_715, %get3A_677 : vector<16xi32>
    tpu.vector_store_idx %arg7[%add3A_716], %broadcast_in_dim3A_70 : memref<32000xf32, #tpu.memory_space<vmem>>[vector<16xi32>], vector<16xf32>,
    %get3A_717 = arith.constant 256 : index
    %get3A_718 = tpu.vector_load %arg6[%get3A_717] {strides = array<i32>} : memref<320xi32, #tpu.memory_space<vmem>>, vector<16xi32>,
    %iota3A_719 = tpu.iota {dimensions = array<i32: 0>} : vector<16xi32>
    %add3A_720 = arith.constant 256 : i32
    %add3A_721 = vector.broadcast %add3A_720 : i32 to vector<16xi32>
    %add3A_722 = arith.addi %iota3A_719, %add3A_721 : vector<16xi32>
    %jit3A_723 = arith.constant 10 : i32
    %div3A_724 = vector.broadcast %jit3A_723 : i32 to vector<16xi32>
    %div3A_725 = arith.divsi %add3A_722, %div3A_724 : vector<16xi32>
    %sign3A_726 = arith.constant 0 : i32
    %sign3A_727 = vector.broadcast %sign3A_726 : i32 to vector<16xi32>
    %sign3A_728 = arith.cmpi sgt, %add3A_722, %sign3A_727 : vector<16xi32>
    %sign3A_729 = arith.extui %sign3A_728 : vector<16xi1> to vector<16xi32>
    %sign3A_730 = arith.constant 0 : i32
    %sign3A_731 = vector.broadcast %sign3A_730 : i32 to vector<16xi32>
    %sign3A_732 = arith.cmpi slt, %add3A_722, %sign3A_731 : vector<16xi32>
    %sign3A_733 = arith.extui %sign3A_732 : vector<16xi1> to vector<16xi32>
    %sign3A_734 = arith.subi %sign3A_729, %sign3A_733 : vector<16xi32>
    %sign3A_735 = arith.constant 0 : i32
    %sign3A_736 = arith.cmpi sgt, %jit3A_723, %sign3A_735 : i32
    %sign3A_737 = arith.extui %sign3A_736 : i1 to i32
    %sign3A_738 = arith.constant 0 : i32
    %sign3A_739 = arith.cmpi slt, %jit3A_723, %sign3A_738 : i32
    %sign3A_740 = arith.extui %sign3A_739 : i1 to i32
    %sign3A_741 = arith.subi %sign3A_737, %sign3A_740 : i32
    %ne3A_742 = vector.broadcast %sign3A_741 : i32 to vector<16xi32>
    %ne3A_743 = arith.cmpi ne, %sign3A_734, %ne3A_742 : vector<16xi32>
    %rem3A_744 = vector.broadcast %jit3A_723 : i32 to vector<16xi32>
    %rem3A_745 = arith.remsi %add3A_722, %rem3A_744 : vector<16xi32>
    %ne3A_746 = arith.constant 0 : i32
    %ne3A_747 = vector.broadcast %ne3A_746 : i32 to vector<16xi32>
    %ne3A_748 = arith.cmpi ne, %rem3A_745, %ne3A_747 : vector<16xi32>
    %and3A_749 = arith.andi %ne3A_743, %ne3A_748 : vector<16xi1>
    %sub3A_750 = arith.constant 1 : i32
    %sub3A_751 = vector.broadcast %sub3A_750 : i32 to vector<16xi32>
    %sub3A_752 = arith.subi %div3A_725, %sub3A_751 : vector<16xi32>
    %select_n3A_753 = arith.select %and3A_749, %sub3A_752, %div3A_725 : vector<16xi1>, vector<16xi32>
    %mul3A_754 = arith.constant 1000 : i32
    %mul3A_755 = vector.broadcast %mul3A_754 : i32 to vector<16xi32>
    %mul3A_756 = arith.muli %select_n3A_753, %mul3A_755 : vector<16xi32>
    %add3A_757 = arith.addi %mul3A_756, %get3A_718 : vector<16xi32>
    tpu.vector_store_idx %arg7[%add3A_757], %broadcast_in_dim3A_70 : memref<32000xf32, #tpu.memory_space<vmem>>[vector<16xi32>], vector<16xf32>,
    %get3A_758 = arith.constant 272 : index
    %get3A_759 = tpu.vector_load %arg6[%get3A_758] {strides = array<i32>} : memref<320xi32, #tpu.memory_space<vmem>>, vector<16xi32>,
    %iota3A_760 = tpu.iota {dimensions = array<i32: 0>} : vector<16xi32>
    %add3A_761 = arith.constant 272 : i32
    %add3A_762 = vector.broadcast %add3A_761 : i32 to vector<16xi32>
    %add3A_763 = arith.addi %iota3A_760, %add3A_762 : vector<16xi32>
    %jit3A_764 = arith.constant 10 : i32
    %div3A_765 = vector.broadcast %jit3A_764 : i32 to vector<16xi32>
    %div3A_766 = arith.divsi %add3A_763, %div3A_765 : vector<16xi32>
    %sign3A_767 = arith.constant 0 : i32
    %sign3A_768 = vector.broadcast %sign3A_767 : i32 to vector<16xi32>
    %sign3A_769 = arith.cmpi sgt, %add3A_763, %sign3A_768 : vector<16xi32>
    %sign3A_770 = arith.extui %sign3A_769 : vector<16xi1> to vector<16xi32>
    %sign3A_771 = arith.constant 0 : i32
    %sign3A_772 = vector.broadcast %sign3A_771 : i32 to vector<16xi32>
    %sign3A_773 = arith.cmpi slt, %add3A_763, %sign3A_772 : vector<16xi32>
    %sign3A_774 = arith.extui %sign3A_773 : vector<16xi1> to vector<16xi32>
    %sign3A_775 = arith.subi %sign3A_770, %sign3A_774 : vector<16xi32>
    %sign3A_776 = arith.constant 0 : i32
    %sign3A_777 = arith.cmpi sgt, %jit3A_764, %sign3A_776 : i32
    %sign3A_778 = arith.extui %sign3A_777 : i1 to i32
    %sign3A_779 = arith.constant 0 : i32
    %sign3A_780 = arith.cmpi slt, %jit3A_764, %sign3A_779 : i32
    %sign3A_781 = arith.extui %sign3A_780 : i1 to i32
    %sign3A_782 = arith.subi %sign3A_778, %sign3A_781 : i32
    %ne3A_783 = vector.broadcast %sign3A_782 : i32 to vector<16xi32>
    %ne3A_784 = arith.cmpi ne, %sign3A_775, %ne3A_783 : vector<16xi32>
    %rem3A_785 = vector.broadcast %jit3A_764 : i32 to vector<16xi32>
    %rem3A_786 = arith.remsi %add3A_763, %rem3A_785 : vector<16xi32>
    %ne3A_787 = arith.constant 0 : i32
    %ne3A_788 = vector.broadcast %ne3A_787 : i32 to vector<16xi32>
    %ne3A_789 = arith.cmpi ne, %rem3A_786, %ne3A_788 : vector<16xi32>
    %and3A_790 = arith.andi %ne3A_784, %ne3A_789 : vector<16xi1>
    %sub3A_791 = arith.constant 1 : i32
    %sub3A_792 = vector.broadcast %sub3A_791 : i32 to vector<16xi32>
    %sub3A_793 = arith.subi %div3A_766, %sub3A_792 : vector<16xi32>
    %select_n3A_794 = arith.select %and3A_790, %sub3A_793, %div3A_766 : vector<16xi1>, vector<16xi32>
    %mul3A_795 = arith.constant 1000 : i32
    %mul3A_796 = vector.broadcast %mul3A_795 : i32 to vector<16xi32>
    %mul3A_797 = arith.muli %select_n3A_794, %mul3A_796 : vector<16xi32>
    %add3A_798 = arith.addi %mul3A_797, %get3A_759 : vector<16xi32>
    tpu.vector_store_idx %arg7[%add3A_798], %broadcast_in_dim3A_70 : memref<32000xf32, #tpu.memory_space<vmem>>[vector<16xi32>], vector<16xf32>,
    %get3A_799 = arith.constant 288 : index
    %get3A_800 = tpu.vector_load %arg6[%get3A_799] {strides = array<i32>} : memref<320xi32, #tpu.memory_space<vmem>>, vector<16xi32>,
    %iota3A_801 = tpu.iota {dimensions = array<i32: 0>} : vector<16xi32>
    %add3A_802 = arith.constant 288 : i32
    %add3A_803 = vector.broadcast %add3A_802 : i32 to vector<16xi32>
    %add3A_804 = arith.addi %iota3A_801, %add3A_803 : vector<16xi32>
    %jit3A_805 = arith.constant 10 : i32
    %div3A_806 = vector.broadcast %jit3A_805 : i32 to vector<16xi32>
    %div3A_807 = arith.divsi %add3A_804, %div3A_806 : vector<16xi32>
    %sign3A_808 = arith.constant 0 : i32
    %sign3A_809 = vector.broadcast %sign3A_808 : i32 to vector<16xi32>
    %sign3A_810 = arith.cmpi sgt, %add3A_804, %sign3A_809 : vector<16xi32>
    %sign3A_811 = arith.extui %sign3A_810 : vector<16xi1> to vector<16xi32>
    %sign3A_812 = arith.constant 0 : i32
    %sign3A_813 = vector.broadcast %sign3A_812 : i32 to vector<16xi32>
    %sign3A_814 = arith.cmpi slt, %add3A_804, %sign3A_813 : vector<16xi32>
    %sign3A_815 = arith.extui %sign3A_814 : vector<16xi1> to vector<16xi32>
    %sign3A_816 = arith.subi %sign3A_811, %sign3A_815 : vector<16xi32>
    %sign3A_817 = arith.constant 0 : i32
    %sign3A_818 = arith.cmpi sgt, %jit3A_805, %sign3A_817 : i32
    %sign3A_819 = arith.extui %sign3A_818 : i1 to i32
    %sign3A_820 = arith.constant 0 : i32
    %sign3A_821 = arith.cmpi slt, %jit3A_805, %sign3A_820 : i32
    %sign3A_822 = arith.extui %sign3A_821 : i1 to i32
    %sign3A_823 = arith.subi %sign3A_819, %sign3A_822 : i32
    %ne3A_824 = vector.broadcast %sign3A_823 : i32 to vector<16xi32>
    %ne3A_825 = arith.cmpi ne, %sign3A_816, %ne3A_824 : vector<16xi32>
    %rem3A_826 = vector.broadcast %jit3A_805 : i32 to vector<16xi32>
    %rem3A_827 = arith.remsi %add3A_804, %rem3A_826 : vector<16xi32>
    %ne3A_828 = arith.constant 0 : i32
    %ne3A_829 = vector.broadcast %ne3A_828 : i32 to vector<16xi32>
    %ne3A_830 = arith.cmpi ne, %rem3A_827, %ne3A_829 : vector<16xi32>
    %and3A_831 = arith.andi %ne3A_825, %ne3A_830 : vector<16xi1>
    %sub3A_832 = arith.constant 1 : i32
    %sub3A_833 = vector.broadcast %sub3A_832 : i32 to vector<16xi32>
    %sub3A_834 = arith.subi %div3A_807, %sub3A_833 : vector<16xi32>
    %select_n3A_835 = arith.select %and3A_831, %sub3A_834, %div3A_807 : vector<16xi1>, vector<16xi32>
    %mul3A_836 = arith.constant 1000 : i32
    %mul3A_837 = vector.broadcast %mul3A_836 : i32 to vector<16xi32>
    %mul3A_838 = arith.muli %select_n3A_835, %mul3A_837 : vector<16xi32>
    %add3A_839 = arith.addi %mul3A_838, %get3A_800 : vector<16xi32>
    tpu.vector_store_idx %arg7[%add3A_839], %broadcast_in_dim3A_70 : memref<32000xf32, #tpu.memory_space<vmem>>[vector<16xi32>], vector<16xf32>,
    %get3A_840 = arith.constant 304 : index
    %get3A_841 = tpu.vector_load %arg6[%get3A_840] {strides = array<i32>} : memref<320xi32, #tpu.memory_space<vmem>>, vector<16xi32>,
    %iota3A_842 = tpu.iota {dimensions = array<i32: 0>} : vector<16xi32>
    %add3A_843 = arith.constant 304 : i32
    %add3A_844 = vector.broadcast %add3A_843 : i32 to vector<16xi32>
    %add3A_845 = arith.addi %iota3A_842, %add3A_844 : vector<16xi32>
    %jit3A_846 = arith.constant 10 : i32
    %div3A_847 = vector.broadcast %jit3A_846 : i32 to vector<16xi32>
    %div3A_848 = arith.divsi %add3A_845, %div3A_847 : vector<16xi32>
    %sign3A_849 = arith.constant 0 : i32
    %sign3A_850 = vector.broadcast %sign3A_849 : i32 to vector<16xi32>
    %sign3A_851 = arith.cmpi sgt, %add3A_845, %sign3A_850 : vector<16xi32>
    %sign3A_852 = arith.extui %sign3A_851 : vector<16xi1> to vector<16xi32>
    %sign3A_853 = arith.constant 0 : i32
    %sign3A_854 = vector.broadcast %sign3A_853 : i32 to vector<16xi32>
    %sign3A_855 = arith.cmpi slt, %add3A_845, %sign3A_854 : vector<16xi32>
    %sign3A_856 = arith.extui %sign3A_855 : vector<16xi1> to vector<16xi32>
    %sign3A_857 = arith.subi %sign3A_852, %sign3A_856 : vector<16xi32>
    %sign3A_858 = arith.constant 0 : i32
    %sign3A_859 = arith.cmpi sgt, %jit3A_846, %sign3A_858 : i32
    %sign3A_860 = arith.extui %sign3A_859 : i1 to i32
    %sign3A_861 = arith.constant 0 : i32
    %sign3A_862 = arith.cmpi slt, %jit3A_846, %sign3A_861 : i32
    %sign3A_863 = arith.extui %sign3A_862 : i1 to i32
    %sign3A_864 = arith.subi %sign3A_860, %sign3A_863 : i32
    %ne3A_865 = vector.broadcast %sign3A_864 : i32 to vector<16xi32>
    %ne3A_866 = arith.cmpi ne, %sign3A_857, %ne3A_865 : vector<16xi32>
    %rem3A_867 = vector.broadcast %jit3A_846 : i32 to vector<16xi32>
    %rem3A_868 = arith.remsi %add3A_845, %rem3A_867 : vector<16xi32>
    %ne3A_869 = arith.constant 0 : i32
    %ne3A_870 = vector.broadcast %ne3A_869 : i32 to vector<16xi32>
    %ne3A_871 = arith.cmpi ne, %rem3A_868, %ne3A_870 : vector<16xi32>
    %and3A_872 = arith.andi %ne3A_866, %ne3A_871 : vector<16xi1>
    %sub3A_873 = arith.constant 1 : i32
    %sub3A_874 = vector.broadcast %sub3A_873 : i32 to vector<16xi32>
    %sub3A_875 = arith.subi %div3A_848, %sub3A_874 : vector<16xi32>
    %select_n3A_876 = arith.select %and3A_872, %sub3A_875, %div3A_848 : vector<16xi1>, vector<16xi32>
    %mul3A_877 = arith.constant 1000 : i32
    %mul3A_878 = vector.broadcast %mul3A_877 : i32 to vector<16xi32>
    %mul3A_879 = arith.muli %select_n3A_876, %mul3A_878 : vector<16xi32>
    %add3A_880 = arith.addi %mul3A_879, %get3A_841 : vector<16xi32>
    tpu.vector_store_idx %arg7[%add3A_880], %broadcast_in_dim3A_70 : memref<32000xf32, #tpu.memory_space<vmem>>[vector<16xi32>], vector<16xf32>,
    "tpu.region"() ({
      %run_scoped3A = tpu.sem_alloc : memref<!tpu.dma_semaphore, #tpu.memory_space<semaphore_mem>>
      %dma_start3A_881 = tpu.memref_slice %arg4[%mul3A_4] : memref<1024000xf32, #tpu.memory_space<hbm>> -> memref<32000xf32, #tpu.memory_space<hbm>>
      %dma_start3A_882 = tpu.memref_slice %arg4[%mul3A_4] : memref<1024000xf32, #tpu.memory_space<hbm>> -> memref<32000xf32, #tpu.memory_space<hbm>>
      tpu.enqueue_dma source(%arg7 : memref<32000xf32, #tpu.memory_space<vmem>>) target(%dma_start3A_882 : memref<32000xf32, #tpu.memory_space<hbm>>) target_semaphore(%run_scoped3A : memref<!tpu.dma_semaphore, #tpu.memory_space<semaphore_mem>>)
      %dma_wait3A_883 = tpu.memref_slice %arg4[%mul3A_4] : memref<1024000xf32, #tpu.memory_space<hbm>> -> memref<32000xf32, #tpu.memory_space<hbm>>
      %dma_wait3A_884 = tpu.memref_slice %arg4[%mul3A_4] : memref<1024000xf32, #tpu.memory_space<hbm>> -> memref<32000xf32, #tpu.memory_space<hbm>>
      tpu.wait_dma2 semaphore(%run_scoped3A : memref<!tpu.dma_semaphore, #tpu.memory_space<semaphore_mem>>) src(%arg7 : memref<32000xf32, #tpu.memory_space<vmem>>) dst(%dma_wait3A_884 : memref<32000xf32, #tpu.memory_space<hbm>>)
      tpu.yield
    }) : () -> ()
    return
  }
}

module attributes {stable_mosaic.version = 14 : i64} {
  func.func @_topk_body(%arg0: i32, %arg1: i32, %arg2: memref<128x64xf32, #tpu.memory_space<vmem>>, %arg3: memref<2048x64xf32, #tpu.memory_space<vmem>>, %arg4: memref<16x128xi32, #tpu.memory_space<vmem>>, %arg5: memref<32x128xf32, #tpu.memory_space<vmem>>, %arg6: memref<32x128xi32, #tpu.memory_space<vmem>>) attributes {dimension_semantics = [#tpu.dimension_semantics<parallel>, #tpu.dimension_semantics<arbitrary>], iteration_bounds = array<i64: 8, 49>, scalar_prefetch = 0 : i64, scratch_operands = 2 : i64, tpu.core_type = #tpu.core_type<tc>, window_params = [{transform_indices = @transform_0, window_bounds = array<i64: 128, 64>}, {transform_indices = @transform_1, window_bounds = array<i64: 2048, 64>}, {transform_indices = @transform_2, window_bounds = array<i64: 16, 128>}]} {
    %get3A = arith.constant 0 : index
    %get3A_0 = arith.constant 0 : index
    %get3A_1 = vector.load %arg2[%get3A, %get3A_0] : memref<128x64xf32, #tpu.memory_space<vmem>>, vector<128x64xf32>
    %mul3A = arith.mulf %get3A_1, %get3A_1 : vector<128x64xf32>
    %reduce_sum3A = arith.constant dense<0.000000e+00> : vector<128xf32>
    %reduce_sum3A_2 = vector.multi_reduction <add>, %mul3A, %reduce_sum3A [1] : vector<128x64xf32> to vector<128xf32>
    %broadcast_in_dim3A = vector.shape_cast %reduce_sum3A_2 : vector<128xf32> to vector<128x1xf32>
    %sqrt3A = math.sqrt %broadcast_in_dim3A : vector<128x1xf32>
    %div3A = vector.broadcast %sqrt3A : vector<128x1xf32> to vector<128x64xf32>
    %div3A_3 = arith.divf %get3A_1, %div3A : vector<128x64xf32>
    %get3A_4 = arith.constant 0 : index
    %get3A_5 = arith.constant 0 : index
    %get3A_6 = vector.load %arg3[%get3A_4, %get3A_5] : memref<2048x64xf32, #tpu.memory_space<vmem>>, vector<2048x64xf32>
    %dot_general3A = arith.constant dense<0.000000e+00> : vector<2048x128xf32>
    %dot_general3A_7 = tpu.matmul %get3A_6, %div3A_3, %dot_general3A {dimension_numbers = #tpu.dot_dimension_numbers<[1], [1], [0], [0], [0, 0, 1, 0], [], []>, transpose_lhs_hint = false} : vector<2048x64xf32>, vector<128x64xf32>, vector<2048x128xf32> -> vector<2048x128xf32>
    %iota3A = tpu.iota {dimensions = array<i32: 0>} : vector<2048x128xi32>
    %mul3A_8 = arith.constant 2048 : i32
    %mul3A_9 = arith.muli %arg1, %mul3A_8 : i32
    %add3A = vector.broadcast %mul3A_9 : i32 to vector<2048x128xi32>
    %add3A_10 = arith.addi %iota3A, %add3A : vector<2048x128xi32>
    %lt3A = arith.constant 100000 : i32
    %lt3A_11 = vector.broadcast %lt3A : i32 to vector<2048x128xi32>
    %lt3A_12 = arith.cmpi slt, %add3A_10, %lt3A_11 : vector<2048x128xi32>
    %jit3A = arith.constant 0xFF800000 : f32
    %broadcast_in_dim3A_13 = vector.broadcast %jit3A : f32 to vector<2048x128xf32>
    %select_n3A = arith.select %lt3A_12, %dot_general3A_7, %broadcast_in_dim3A_13 : vector<2048x128xi1>, vector<2048x128xf32>
    %eq3A = arith.constant 0 : i32
    %eq3A_14 = arith.cmpi eq, %arg1, %eq3A : i32
    %convert_element_type3A = arith.extui %eq3A_14 : i1 to i32
    %cond3A = arith.constant 0 : i32
    %cond3A_15 = arith.cmpi ne, %convert_element_type3A, %cond3A : i32
    scf.if %cond3A_15 {
      %broadcast_in_dim3A_39 = arith.constant 0xFF800000 : f32
      %broadcast_in_dim3A_40 = vector.broadcast %broadcast_in_dim3A_39 : f32 to vector<32x128xf32>
      %swap3A = arith.constant 0 : index
      %swap3A_41 = arith.constant 0 : index
      %swap3A_42 = vector.load %arg5[%swap3A, %swap3A_41] : memref<32x128xf32, #tpu.memory_space<vmem>>, vector<32x128xf32>
      tpu.vector_store %arg5[%swap3A, %swap3A_41], %broadcast_in_dim3A_40 {strides = array<i32>} : memref<32x128xf32, #tpu.memory_space<vmem>>, vector<32x128xf32>,
      %broadcast_in_dim3A_43 = arith.constant 2147483647 : i32
      %broadcast_in_dim3A_44 = vector.broadcast %broadcast_in_dim3A_43 : i32 to vector<32x128xi32>
      %swap3A_45 = arith.constant 0 : index
      %swap3A_46 = arith.constant 0 : index
      %swap3A_47 = vector.load %arg6[%swap3A_45, %swap3A_46] : memref<32x128xi32, #tpu.memory_space<vmem>>, vector<32x128xi32>
      tpu.vector_store %arg6[%swap3A_45, %swap3A_46], %broadcast_in_dim3A_44 {strides = array<i32>} : memref<32x128xi32, #tpu.memory_space<vmem>>, vector<32x128xi32>,
    } else {
    }
    %get3A_16 = arith.constant 9 : index
    %get3A_17 = arith.constant 0 : index
    %get3A_18 = vector.load %arg5[%get3A_16, %get3A_17] : memref<32x128xf32, #tpu.memory_space<vmem>>, vector<1x128xf32>
    %gt3A = vector.broadcast %get3A_18 : vector<1x128xf32> to vector<2048x128xf32>
    %gt3A_19 = arith.cmpf ogt, %select_n3A, %gt3A : vector<2048x128xf32>
    %convert_element_type3A_20 = arith.extui %gt3A_19 : vector<2048x128xi1> to vector<2048x128xi32>
    %reduce_sum3A_21 = arith.constant dense<0> : vector<128xi32>
    %reduce_sum3A_22 = vector.multi_reduction <add>, %convert_element_type3A_20, %reduce_sum3A_21 [0] : vector<2048x128xi32> to vector<128xi32>
    %broadcast_in_dim3A_23 = vector.shape_cast %reduce_sum3A_22 : vector<128xi32> to vector<1x128xi32>
    %reduce_max3A = vector.shape_cast %broadcast_in_dim3A_23 : vector<1x128xi32> to vector<1x1x128xi32>
    %reduce_max3A_24 = arith.constant dense<-2147483648> : vector<1xi32>
    %reduce_max3A_25 = vector.multi_reduction <maxsi>, %reduce_max3A, %reduce_max3A_24 [1, 2] : vector<1x1x128xi32> to vector<1xi32>
    %reduce_max3A_26 = vector.shape_cast %reduce_max3A_25 : vector<1xi32> to vector<1x1x1xi32>
    %reduce_max3A_27 = vector.extract %reduce_max3A_26[0, 0, 0] : i32 from vector<1x1x1xi32>
    %min3A = arith.constant 10 : i32
    %min3A_28 = arith.minsi %reduce_max3A_27, %min3A : i32
    %gt3A_29 = arith.constant 0 : i32
    %gt3A_30 = arith.cmpi sgt, %min3A_28, %gt3A_29 : i32
    %convert_element_type3A_31 = arith.extui %gt3A_30 : i1 to i32
    %cond3A_32 = arith.constant 0 : i32
    %cond3A_33 = arith.cmpi ne, %convert_element_type3A_31, %cond3A_32 : i32
    scf.if %cond3A_33 {
      %broadcast_in_dim3A_39 = arith.constant 0xFF800000 : f32
      %broadcast_in_dim3A_40 = vector.broadcast %broadcast_in_dim3A_39 : f32 to vector<10x128xf32>
      %swap3A = arith.constant 10 : index
      %swap3A_41 = arith.constant 0 : index
      %swap3A_42 = vector.load %arg5[%swap3A, %swap3A_41] : memref<32x128xf32, #tpu.memory_space<vmem>>, vector<10x128xf32>
      tpu.vector_store %arg5[%swap3A, %swap3A_41], %broadcast_in_dim3A_40 {strides = array<i32>} : memref<32x128xf32, #tpu.memory_space<vmem>>, vector<10x128xf32>,
      %broadcast_in_dim3A_43 = arith.constant 2147483647 : i32
      %broadcast_in_dim3A_44 = vector.broadcast %broadcast_in_dim3A_43 : i32 to vector<10x128xi32>
      %swap3A_45 = arith.constant 10 : index
      %swap3A_46 = arith.constant 0 : index
      %swap3A_47 = vector.load %arg6[%swap3A_45, %swap3A_46] : memref<32x128xi32, #tpu.memory_space<vmem>>, vector<10x128xi32>
      tpu.vector_store %arg6[%swap3A_45, %swap3A_46], %broadcast_in_dim3A_44 {strides = array<i32>} : memref<32x128xi32, #tpu.memory_space<vmem>>, vector<10x128xi32>,
      %gt3A_48 = arith.constant 0 : i32
      %gt3A_49 = arith.cmpi sgt, %min3A_28, %gt3A_48 : i32
      %convert_element_type3A_50 = arith.extui %gt3A_49 : i1 to i32
      %cond3A_51 = arith.constant 0 : i32
      %cond3A_52 = arith.cmpi ne, %convert_element_type3A_50, %cond3A_51 : i32
      scf.if %cond3A_52 {
        %reduce_max3A_265 = arith.constant dense<0xFF800000> : vector<128xf32>
        %reduce_max3A_266 = vector.multi_reduction <maximumf>, %select_n3A, %reduce_max3A_265 [0] : vector<2048x128xf32> to vector<128xf32>
        %broadcast_in_dim3A_267 = vector.shape_cast %reduce_max3A_266 : vector<128xf32> to vector<1x128xf32>
        %eq3A_268 = vector.broadcast %broadcast_in_dim3A_267 : vector<1x128xf32> to vector<2048x128xf32>
        %eq3A_269 = arith.cmpf oeq, %select_n3A, %eq3A_268 : vector<2048x128xf32>
        %jit3A_270 = arith.constant 2147483647 : i32
        %broadcast_in_dim3A_271 = vector.broadcast %jit3A_270 : i32 to vector<2048x128xi32>
        %select_n3A_272 = arith.select %eq3A_269, %add3A_10, %broadcast_in_dim3A_271 : vector<2048x128xi1>, vector<2048x128xi32>
        %reduce_min3A_273 = arith.constant dense<2147483647> : vector<128xi32>
        %reduce_min3A_274 = vector.multi_reduction <minsi>, %select_n3A_272, %reduce_min3A_273 [0] : vector<2048x128xi32> to vector<128xi32>
        %broadcast_in_dim3A_275 = vector.shape_cast %reduce_min3A_274 : vector<128xi32> to vector<1x128xi32>
        %swap3A_276 = arith.constant 10 : index
        %swap3A_277 = arith.constant 0 : index
        %swap3A_278 = vector.load %arg5[%swap3A_276, %swap3A_277] : memref<32x128xf32, #tpu.memory_space<vmem>>, vector<1x128xf32>
        tpu.vector_store %arg5[%swap3A_276, %swap3A_277], %broadcast_in_dim3A_267 {strides = array<i32>} : memref<32x128xf32, #tpu.memory_space<vmem>>, vector<1x128xf32>,
        %swap3A_279 = arith.constant 10 : index
        %swap3A_280 = arith.constant 0 : index
        %swap3A_281 = vector.load %arg6[%swap3A_279, %swap3A_280] : memref<32x128xi32, #tpu.memory_space<vmem>>, vector<1x128xi32>
        tpu.vector_store %arg6[%swap3A_279, %swap3A_280], %broadcast_in_dim3A_275 {strides = array<i32>} : memref<32x128xi32, #tpu.memory_space<vmem>>, vector<1x128xi32>,
      } else {
      }
      %gt3A_53 = arith.constant 1 : i32
      %gt3A_54 = arith.cmpi sgt, %min3A_28, %gt3A_53 : i32
      %convert_element_type3A_55 = arith.extui %gt3A_54 : i1 to i32
      %cond3A_56 = arith.constant 0 : i32
      %cond3A_57 = arith.cmpi ne, %convert_element_type3A_55, %cond3A_56 : i32
      scf.if %cond3A_57 {
        %get3A_265 = arith.constant 10 : index
        %get3A_266 = arith.constant 0 : index
        %get3A_267 = vector.load %arg5[%get3A_265, %get3A_266] : memref<32x128xf32, #tpu.memory_space<vmem>>, vector<1x128xf32>
        %get3A_268 = arith.constant 10 : index
        %get3A_269 = arith.constant 0 : index
        %get3A_270 = vector.load %arg6[%get3A_268, %get3A_269] : memref<32x128xi32, #tpu.memory_space<vmem>>, vector<1x128xi32>
        %lt3A_271 = vector.broadcast %get3A_267 : vector<1x128xf32> to vector<2048x128xf32>
        %lt3A_272 = arith.cmpf olt, %select_n3A, %lt3A_271 : vector<2048x128xf32>
        %eq3A_273 = vector.broadcast %get3A_267 : vector<1x128xf32> to vector<2048x128xf32>
        %eq3A_274 = arith.cmpf oeq, %select_n3A, %eq3A_273 : vector<2048x128xf32>
        %gt3A_275 = vector.broadcast %get3A_270 : vector<1x128xi32> to vector<2048x128xi32>
        %gt3A_276 = arith.cmpi sgt, %add3A_10, %gt3A_275 : vector<2048x128xi32>
        %and3A = arith.andi %eq3A_274, %gt3A_276 : vector<2048x128xi1>
        %or3A = arith.ori %lt3A_272, %and3A : vector<2048x128xi1>
        %jit3A_277 = arith.constant 0xFF800000 : f32
        %broadcast_in_dim3A_278 = vector.broadcast %jit3A_277 : f32 to vector<2048x128xf32>
        %select_n3A_279 = arith.select %or3A, %select_n3A, %broadcast_in_dim3A_278 : vector<2048x128xi1>, vector<2048x128xf32>
        %reduce_max3A_280 = arith.constant dense<0xFF800000> : vector<128xf32>
        %reduce_max3A_281 = vector.multi_reduction <maximumf>, %select_n3A_279, %reduce_max3A_280 [0] : vector<2048x128xf32> to vector<128xf32>
        %broadcast_in_dim3A_282 = vector.shape_cast %reduce_max3A_281 : vector<128xf32> to vector<1x128xf32>
        %eq3A_283 = vector.broadcast %broadcast_in_dim3A_282 : vector<1x128xf32> to vector<2048x128xf32>
        %eq3A_284 = arith.cmpf oeq, %select_n3A, %eq3A_283 : vector<2048x128xf32>
        %and3A_285 = arith.andi %or3A, %eq3A_284 : vector<2048x128xi1>
        %jit3A_286 = arith.constant 2147483647 : i32
        %broadcast_in_dim3A_287 = vector.broadcast %jit3A_286 : i32 to vector<2048x128xi32>
        %select_n3A_288 = arith.select %and3A_285, %add3A_10, %broadcast_in_dim3A_287 : vector<2048x128xi1>, vector<2048x128xi32>
        %reduce_min3A_289 = arith.constant dense<2147483647> : vector<128xi32>
        %reduce_min3A_290 = vector.multi_reduction <minsi>, %select_n3A_288, %reduce_min3A_289 [0] : vector<2048x128xi32> to vector<128xi32>
        %broadcast_in_dim3A_291 = vector.shape_cast %reduce_min3A_290 : vector<128xi32> to vector<1x128xi32>
        %swap3A_292 = arith.constant 11 : index
        %swap3A_293 = arith.constant 0 : index
        %swap3A_294 = vector.load %arg5[%swap3A_292, %swap3A_293] : memref<32x128xf32, #tpu.memory_space<vmem>>, vector<1x128xf32>
        tpu.vector_store %arg5[%swap3A_292, %swap3A_293], %broadcast_in_dim3A_282 {strides = array<i32>} : memref<32x128xf32, #tpu.memory_space<vmem>>, vector<1x128xf32>,
        %swap3A_295 = arith.constant 11 : index
        %swap3A_296 = arith.constant 0 : index
        %swap3A_297 = vector.load %arg6[%swap3A_295, %swap3A_296] : memref<32x128xi32, #tpu.memory_space<vmem>>, vector<1x128xi32>
        tpu.vector_store %arg6[%swap3A_295, %swap3A_296], %broadcast_in_dim3A_291 {strides = array<i32>} : memref<32x128xi32, #tpu.memory_space<vmem>>, vector<1x128xi32>,
      } else {
      }
      %gt3A_58 = arith.constant 2 : i32
      %gt3A_59 = arith.cmpi sgt, %min3A_28, %gt3A_58 : i32
      %convert_element_type3A_60 = arith.extui %gt3A_59 : i1 to i32
      %cond3A_61 = arith.constant 0 : i32
      %cond3A_62 = arith.cmpi ne, %convert_element_type3A_60, %cond3A_61 : i32
      scf.if %cond3A_62 {
        %get3A_265 = arith.constant 11 : index
        %get3A_266 = arith.constant 0 : index
        %get3A_267 = vector.load %arg5[%get3A_265, %get3A_266] : memref<32x128xf32, #tpu.memory_space<vmem>>, vector<1x128xf32>
        %get3A_268 = arith.constant 11 : index
        %get3A_269 = arith.constant 0 : index
        %get3A_270 = vector.load %arg6[%get3A_268, %get3A_269] : memref<32x128xi32, #tpu.memory_space<vmem>>, vector<1x128xi32>
        %lt3A_271 = vector.broadcast %get3A_267 : vector<1x128xf32> to vector<2048x128xf32>
        %lt3A_272 = arith.cmpf olt, %select_n3A, %lt3A_271 : vector<2048x128xf32>
        %eq3A_273 = vector.broadcast %get3A_267 : vector<1x128xf32> to vector<2048x128xf32>
        %eq3A_274 = arith.cmpf oeq, %select_n3A, %eq3A_273 : vector<2048x128xf32>
        %gt3A_275 = vector.broadcast %get3A_270 : vector<1x128xi32> to vector<2048x128xi32>
        %gt3A_276 = arith.cmpi sgt, %add3A_10, %gt3A_275 : vector<2048x128xi32>
        %and3A = arith.andi %eq3A_274, %gt3A_276 : vector<2048x128xi1>
        %or3A = arith.ori %lt3A_272, %and3A : vector<2048x128xi1>
        %jit3A_277 = arith.constant 0xFF800000 : f32
        %broadcast_in_dim3A_278 = vector.broadcast %jit3A_277 : f32 to vector<2048x128xf32>
        %select_n3A_279 = arith.select %or3A, %select_n3A, %broadcast_in_dim3A_278 : vector<2048x128xi1>, vector<2048x128xf32>
        %reduce_max3A_280 = arith.constant dense<0xFF800000> : vector<128xf32>
        %reduce_max3A_281 = vector.multi_reduction <maximumf>, %select_n3A_279, %reduce_max3A_280 [0] : vector<2048x128xf32> to vector<128xf32>
        %broadcast_in_dim3A_282 = vector.shape_cast %reduce_max3A_281 : vector<128xf32> to vector<1x128xf32>
        %eq3A_283 = vector.broadcast %broadcast_in_dim3A_282 : vector<1x128xf32> to vector<2048x128xf32>
        %eq3A_284 = arith.cmpf oeq, %select_n3A, %eq3A_283 : vector<2048x128xf32>
        %and3A_285 = arith.andi %or3A, %eq3A_284 : vector<2048x128xi1>
        %jit3A_286 = arith.constant 2147483647 : i32
        %broadcast_in_dim3A_287 = vector.broadcast %jit3A_286 : i32 to vector<2048x128xi32>
        %select_n3A_288 = arith.select %and3A_285, %add3A_10, %broadcast_in_dim3A_287 : vector<2048x128xi1>, vector<2048x128xi32>
        %reduce_min3A_289 = arith.constant dense<2147483647> : vector<128xi32>
        %reduce_min3A_290 = vector.multi_reduction <minsi>, %select_n3A_288, %reduce_min3A_289 [0] : vector<2048x128xi32> to vector<128xi32>
        %broadcast_in_dim3A_291 = vector.shape_cast %reduce_min3A_290 : vector<128xi32> to vector<1x128xi32>
        %swap3A_292 = arith.constant 12 : index
        %swap3A_293 = arith.constant 0 : index
        %swap3A_294 = vector.load %arg5[%swap3A_292, %swap3A_293] : memref<32x128xf32, #tpu.memory_space<vmem>>, vector<1x128xf32>
        tpu.vector_store %arg5[%swap3A_292, %swap3A_293], %broadcast_in_dim3A_282 {strides = array<i32>} : memref<32x128xf32, #tpu.memory_space<vmem>>, vector<1x128xf32>,
        %swap3A_295 = arith.constant 12 : index
        %swap3A_296 = arith.constant 0 : index
        %swap3A_297 = vector.load %arg6[%swap3A_295, %swap3A_296] : memref<32x128xi32, #tpu.memory_space<vmem>>, vector<1x128xi32>
        tpu.vector_store %arg6[%swap3A_295, %swap3A_296], %broadcast_in_dim3A_291 {strides = array<i32>} : memref<32x128xi32, #tpu.memory_space<vmem>>, vector<1x128xi32>,
      } else {
      }
      %gt3A_63 = arith.constant 3 : i32
      %gt3A_64 = arith.cmpi sgt, %min3A_28, %gt3A_63 : i32
      %convert_element_type3A_65 = arith.extui %gt3A_64 : i1 to i32
      %cond3A_66 = arith.constant 0 : i32
      %cond3A_67 = arith.cmpi ne, %convert_element_type3A_65, %cond3A_66 : i32
      scf.if %cond3A_67 {
        %get3A_265 = arith.constant 12 : index
        %get3A_266 = arith.constant 0 : index
        %get3A_267 = vector.load %arg5[%get3A_265, %get3A_266] : memref<32x128xf32, #tpu.memory_space<vmem>>, vector<1x128xf32>
        %get3A_268 = arith.constant 12 : index
        %get3A_269 = arith.constant 0 : index
        %get3A_270 = vector.load %arg6[%get3A_268, %get3A_269] : memref<32x128xi32, #tpu.memory_space<vmem>>, vector<1x128xi32>
        %lt3A_271 = vector.broadcast %get3A_267 : vector<1x128xf32> to vector<2048x128xf32>
        %lt3A_272 = arith.cmpf olt, %select_n3A, %lt3A_271 : vector<2048x128xf32>
        %eq3A_273 = vector.broadcast %get3A_267 : vector<1x128xf32> to vector<2048x128xf32>
        %eq3A_274 = arith.cmpf oeq, %select_n3A, %eq3A_273 : vector<2048x128xf32>
        %gt3A_275 = vector.broadcast %get3A_270 : vector<1x128xi32> to vector<2048x128xi32>
        %gt3A_276 = arith.cmpi sgt, %add3A_10, %gt3A_275 : vector<2048x128xi32>
        %and3A = arith.andi %eq3A_274, %gt3A_276 : vector<2048x128xi1>
        %or3A = arith.ori %lt3A_272, %and3A : vector<2048x128xi1>
        %jit3A_277 = arith.constant 0xFF800000 : f32
        %broadcast_in_dim3A_278 = vector.broadcast %jit3A_277 : f32 to vector<2048x128xf32>
        %select_n3A_279 = arith.select %or3A, %select_n3A, %broadcast_in_dim3A_278 : vector<2048x128xi1>, vector<2048x128xf32>
        %reduce_max3A_280 = arith.constant dense<0xFF800000> : vector<128xf32>
        %reduce_max3A_281 = vector.multi_reduction <maximumf>, %select_n3A_279, %reduce_max3A_280 [0] : vector<2048x128xf32> to vector<128xf32>
        %broadcast_in_dim3A_282 = vector.shape_cast %reduce_max3A_281 : vector<128xf32> to vector<1x128xf32>
        %eq3A_283 = vector.broadcast %broadcast_in_dim3A_282 : vector<1x128xf32> to vector<2048x128xf32>
        %eq3A_284 = arith.cmpf oeq, %select_n3A, %eq3A_283 : vector<2048x128xf32>
        %and3A_285 = arith.andi %or3A, %eq3A_284 : vector<2048x128xi1>
        %jit3A_286 = arith.constant 2147483647 : i32
        %broadcast_in_dim3A_287 = vector.broadcast %jit3A_286 : i32 to vector<2048x128xi32>
        %select_n3A_288 = arith.select %and3A_285, %add3A_10, %broadcast_in_dim3A_287 : vector<2048x128xi1>, vector<2048x128xi32>
        %reduce_min3A_289 = arith.constant dense<2147483647> : vector<128xi32>
        %reduce_min3A_290 = vector.multi_reduction <minsi>, %select_n3A_288, %reduce_min3A_289 [0] : vector<2048x128xi32> to vector<128xi32>
        %broadcast_in_dim3A_291 = vector.shape_cast %reduce_min3A_290 : vector<128xi32> to vector<1x128xi32>
        %swap3A_292 = arith.constant 13 : index
        %swap3A_293 = arith.constant 0 : index
        %swap3A_294 = vector.load %arg5[%swap3A_292, %swap3A_293] : memref<32x128xf32, #tpu.memory_space<vmem>>, vector<1x128xf32>
        tpu.vector_store %arg5[%swap3A_292, %swap3A_293], %broadcast_in_dim3A_282 {strides = array<i32>} : memref<32x128xf32, #tpu.memory_space<vmem>>, vector<1x128xf32>,
        %swap3A_295 = arith.constant 13 : index
        %swap3A_296 = arith.constant 0 : index
        %swap3A_297 = vector.load %arg6[%swap3A_295, %swap3A_296] : memref<32x128xi32, #tpu.memory_space<vmem>>, vector<1x128xi32>
        tpu.vector_store %arg6[%swap3A_295, %swap3A_296], %broadcast_in_dim3A_291 {strides = array<i32>} : memref<32x128xi32, #tpu.memory_space<vmem>>, vector<1x128xi32>,
      } else {
      }
      %gt3A_68 = arith.constant 4 : i32
      %gt3A_69 = arith.cmpi sgt, %min3A_28, %gt3A_68 : i32
      %convert_element_type3A_70 = arith.extui %gt3A_69 : i1 to i32
      %cond3A_71 = arith.constant 0 : i32
      %cond3A_72 = arith.cmpi ne, %convert_element_type3A_70, %cond3A_71 : i32
      scf.if %cond3A_72 {
        %get3A_265 = arith.constant 13 : index
        %get3A_266 = arith.constant 0 : index
        %get3A_267 = vector.load %arg5[%get3A_265, %get3A_266] : memref<32x128xf32, #tpu.memory_space<vmem>>, vector<1x128xf32>
        %get3A_268 = arith.constant 13 : index
        %get3A_269 = arith.constant 0 : index
        %get3A_270 = vector.load %arg6[%get3A_268, %get3A_269] : memref<32x128xi32, #tpu.memory_space<vmem>>, vector<1x128xi32>
        %lt3A_271 = vector.broadcast %get3A_267 : vector<1x128xf32> to vector<2048x128xf32>
        %lt3A_272 = arith.cmpf olt, %select_n3A, %lt3A_271 : vector<2048x128xf32>
        %eq3A_273 = vector.broadcast %get3A_267 : vector<1x128xf32> to vector<2048x128xf32>
        %eq3A_274 = arith.cmpf oeq, %select_n3A, %eq3A_273 : vector<2048x128xf32>
        %gt3A_275 = vector.broadcast %get3A_270 : vector<1x128xi32> to vector<2048x128xi32>
        %gt3A_276 = arith.cmpi sgt, %add3A_10, %gt3A_275 : vector<2048x128xi32>
        %and3A = arith.andi %eq3A_274, %gt3A_276 : vector<2048x128xi1>
        %or3A = arith.ori %lt3A_272, %and3A : vector<2048x128xi1>
        %jit3A_277 = arith.constant 0xFF800000 : f32
        %broadcast_in_dim3A_278 = vector.broadcast %jit3A_277 : f32 to vector<2048x128xf32>
        %select_n3A_279 = arith.select %or3A, %select_n3A, %broadcast_in_dim3A_278 : vector<2048x128xi1>, vector<2048x128xf32>
        %reduce_max3A_280 = arith.constant dense<0xFF800000> : vector<128xf32>
        %reduce_max3A_281 = vector.multi_reduction <maximumf>, %select_n3A_279, %reduce_max3A_280 [0] : vector<2048x128xf32> to vector<128xf32>
        %broadcast_in_dim3A_282 = vector.shape_cast %reduce_max3A_281 : vector<128xf32> to vector<1x128xf32>
        %eq3A_283 = vector.broadcast %broadcast_in_dim3A_282 : vector<1x128xf32> to vector<2048x128xf32>
        %eq3A_284 = arith.cmpf oeq, %select_n3A, %eq3A_283 : vector<2048x128xf32>
        %and3A_285 = arith.andi %or3A, %eq3A_284 : vector<2048x128xi1>
        %jit3A_286 = arith.constant 2147483647 : i32
        %broadcast_in_dim3A_287 = vector.broadcast %jit3A_286 : i32 to vector<2048x128xi32>
        %select_n3A_288 = arith.select %and3A_285, %add3A_10, %broadcast_in_dim3A_287 : vector<2048x128xi1>, vector<2048x128xi32>
        %reduce_min3A_289 = arith.constant dense<2147483647> : vector<128xi32>
        %reduce_min3A_290 = vector.multi_reduction <minsi>, %select_n3A_288, %reduce_min3A_289 [0] : vector<2048x128xi32> to vector<128xi32>
        %broadcast_in_dim3A_291 = vector.shape_cast %reduce_min3A_290 : vector<128xi32> to vector<1x128xi32>
        %swap3A_292 = arith.constant 14 : index
        %swap3A_293 = arith.constant 0 : index
        %swap3A_294 = vector.load %arg5[%swap3A_292, %swap3A_293] : memref<32x128xf32, #tpu.memory_space<vmem>>, vector<1x128xf32>
        tpu.vector_store %arg5[%swap3A_292, %swap3A_293], %broadcast_in_dim3A_282 {strides = array<i32>} : memref<32x128xf32, #tpu.memory_space<vmem>>, vector<1x128xf32>,
        %swap3A_295 = arith.constant 14 : index
        %swap3A_296 = arith.constant 0 : index
        %swap3A_297 = vector.load %arg6[%swap3A_295, %swap3A_296] : memref<32x128xi32, #tpu.memory_space<vmem>>, vector<1x128xi32>
        tpu.vector_store %arg6[%swap3A_295, %swap3A_296], %broadcast_in_dim3A_291 {strides = array<i32>} : memref<32x128xi32, #tpu.memory_space<vmem>>, vector<1x128xi32>,
      } else {
      }
      %gt3A_73 = arith.constant 5 : i32
      %gt3A_74 = arith.cmpi sgt, %min3A_28, %gt3A_73 : i32
      %convert_element_type3A_75 = arith.extui %gt3A_74 : i1 to i32
      %cond3A_76 = arith.constant 0 : i32
      %cond3A_77 = arith.cmpi ne, %convert_element_type3A_75, %cond3A_76 : i32
      scf.if %cond3A_77 {
        %get3A_265 = arith.constant 14 : index
        %get3A_266 = arith.constant 0 : index
        %get3A_267 = vector.load %arg5[%get3A_265, %get3A_266] : memref<32x128xf32, #tpu.memory_space<vmem>>, vector<1x128xf32>
        %get3A_268 = arith.constant 14 : index
        %get3A_269 = arith.constant 0 : index
        %get3A_270 = vector.load %arg6[%get3A_268, %get3A_269] : memref<32x128xi32, #tpu.memory_space<vmem>>, vector<1x128xi32>
        %lt3A_271 = vector.broadcast %get3A_267 : vector<1x128xf32> to vector<2048x128xf32>
        %lt3A_272 = arith.cmpf olt, %select_n3A, %lt3A_271 : vector<2048x128xf32>
        %eq3A_273 = vector.broadcast %get3A_267 : vector<1x128xf32> to vector<2048x128xf32>
        %eq3A_274 = arith.cmpf oeq, %select_n3A, %eq3A_273 : vector<2048x128xf32>
        %gt3A_275 = vector.broadcast %get3A_270 : vector<1x128xi32> to vector<2048x128xi32>
        %gt3A_276 = arith.cmpi sgt, %add3A_10, %gt3A_275 : vector<2048x128xi32>
        %and3A = arith.andi %eq3A_274, %gt3A_276 : vector<2048x128xi1>
        %or3A = arith.ori %lt3A_272, %and3A : vector<2048x128xi1>
        %jit3A_277 = arith.constant 0xFF800000 : f32
        %broadcast_in_dim3A_278 = vector.broadcast %jit3A_277 : f32 to vector<2048x128xf32>
        %select_n3A_279 = arith.select %or3A, %select_n3A, %broadcast_in_dim3A_278 : vector<2048x128xi1>, vector<2048x128xf32>
        %reduce_max3A_280 = arith.constant dense<0xFF800000> : vector<128xf32>
        %reduce_max3A_281 = vector.multi_reduction <maximumf>, %select_n3A_279, %reduce_max3A_280 [0] : vector<2048x128xf32> to vector<128xf32>
        %broadcast_in_dim3A_282 = vector.shape_cast %reduce_max3A_281 : vector<128xf32> to vector<1x128xf32>
        %eq3A_283 = vector.broadcast %broadcast_in_dim3A_282 : vector<1x128xf32> to vector<2048x128xf32>
        %eq3A_284 = arith.cmpf oeq, %select_n3A, %eq3A_283 : vector<2048x128xf32>
        %and3A_285 = arith.andi %or3A, %eq3A_284 : vector<2048x128xi1>
        %jit3A_286 = arith.constant 2147483647 : i32
        %broadcast_in_dim3A_287 = vector.broadcast %jit3A_286 : i32 to vector<2048x128xi32>
        %select_n3A_288 = arith.select %and3A_285, %add3A_10, %broadcast_in_dim3A_287 : vector<2048x128xi1>, vector<2048x128xi32>
        %reduce_min3A_289 = arith.constant dense<2147483647> : vector<128xi32>
        %reduce_min3A_290 = vector.multi_reduction <minsi>, %select_n3A_288, %reduce_min3A_289 [0] : vector<2048x128xi32> to vector<128xi32>
        %broadcast_in_dim3A_291 = vector.shape_cast %reduce_min3A_290 : vector<128xi32> to vector<1x128xi32>
        %swap3A_292 = arith.constant 15 : index
        %swap3A_293 = arith.constant 0 : index
        %swap3A_294 = vector.load %arg5[%swap3A_292, %swap3A_293] : memref<32x128xf32, #tpu.memory_space<vmem>>, vector<1x128xf32>
        tpu.vector_store %arg5[%swap3A_292, %swap3A_293], %broadcast_in_dim3A_282 {strides = array<i32>} : memref<32x128xf32, #tpu.memory_space<vmem>>, vector<1x128xf32>,
        %swap3A_295 = arith.constant 15 : index
        %swap3A_296 = arith.constant 0 : index
        %swap3A_297 = vector.load %arg6[%swap3A_295, %swap3A_296] : memref<32x128xi32, #tpu.memory_space<vmem>>, vector<1x128xi32>
        tpu.vector_store %arg6[%swap3A_295, %swap3A_296], %broadcast_in_dim3A_291 {strides = array<i32>} : memref<32x128xi32, #tpu.memory_space<vmem>>, vector<1x128xi32>,
      } else {
      }
      %gt3A_78 = arith.constant 6 : i32
      %gt3A_79 = arith.cmpi sgt, %min3A_28, %gt3A_78 : i32
      %convert_element_type3A_80 = arith.extui %gt3A_79 : i1 to i32
      %cond3A_81 = arith.constant 0 : i32
      %cond3A_82 = arith.cmpi ne, %convert_element_type3A_80, %cond3A_81 : i32
      scf.if %cond3A_82 {
        %get3A_265 = arith.constant 15 : index
        %get3A_266 = arith.constant 0 : index
        %get3A_267 = vector.load %arg5[%get3A_265, %get3A_266] : memref<32x128xf32, #tpu.memory_space<vmem>>, vector<1x128xf32>
        %get3A_268 = arith.constant 15 : index
        %get3A_269 = arith.constant 0 : index
        %get3A_270 = vector.load %arg6[%get3A_268, %get3A_269] : memref<32x128xi32, #tpu.memory_space<vmem>>, vector<1x128xi32>
        %lt3A_271 = vector.broadcast %get3A_267 : vector<1x128xf32> to vector<2048x128xf32>
        %lt3A_272 = arith.cmpf olt, %select_n3A, %lt3A_271 : vector<2048x128xf32>
        %eq3A_273 = vector.broadcast %get3A_267 : vector<1x128xf32> to vector<2048x128xf32>
        %eq3A_274 = arith.cmpf oeq, %select_n3A, %eq3A_273 : vector<2048x128xf32>
        %gt3A_275 = vector.broadcast %get3A_270 : vector<1x128xi32> to vector<2048x128xi32>
        %gt3A_276 = arith.cmpi sgt, %add3A_10, %gt3A_275 : vector<2048x128xi32>
        %and3A = arith.andi %eq3A_274, %gt3A_276 : vector<2048x128xi1>
        %or3A = arith.ori %lt3A_272, %and3A : vector<2048x128xi1>
        %jit3A_277 = arith.constant 0xFF800000 : f32
        %broadcast_in_dim3A_278 = vector.broadcast %jit3A_277 : f32 to vector<2048x128xf32>
        %select_n3A_279 = arith.select %or3A, %select_n3A, %broadcast_in_dim3A_278 : vector<2048x128xi1>, vector<2048x128xf32>
        %reduce_max3A_280 = arith.constant dense<0xFF800000> : vector<128xf32>
        %reduce_max3A_281 = vector.multi_reduction <maximumf>, %select_n3A_279, %reduce_max3A_280 [0] : vector<2048x128xf32> to vector<128xf32>
        %broadcast_in_dim3A_282 = vector.shape_cast %reduce_max3A_281 : vector<128xf32> to vector<1x128xf32>
        %eq3A_283 = vector.broadcast %broadcast_in_dim3A_282 : vector<1x128xf32> to vector<2048x128xf32>
        %eq3A_284 = arith.cmpf oeq, %select_n3A, %eq3A_283 : vector<2048x128xf32>
        %and3A_285 = arith.andi %or3A, %eq3A_284 : vector<2048x128xi1>
        %jit3A_286 = arith.constant 2147483647 : i32
        %broadcast_in_dim3A_287 = vector.broadcast %jit3A_286 : i32 to vector<2048x128xi32>
        %select_n3A_288 = arith.select %and3A_285, %add3A_10, %broadcast_in_dim3A_287 : vector<2048x128xi1>, vector<2048x128xi32>
        %reduce_min3A_289 = arith.constant dense<2147483647> : vector<128xi32>
        %reduce_min3A_290 = vector.multi_reduction <minsi>, %select_n3A_288, %reduce_min3A_289 [0] : vector<2048x128xi32> to vector<128xi32>
        %broadcast_in_dim3A_291 = vector.shape_cast %reduce_min3A_290 : vector<128xi32> to vector<1x128xi32>
        %swap3A_292 = arith.constant 16 : index
        %swap3A_293 = arith.constant 0 : index
        %swap3A_294 = vector.load %arg5[%swap3A_292, %swap3A_293] : memref<32x128xf32, #tpu.memory_space<vmem>>, vector<1x128xf32>
        tpu.vector_store %arg5[%swap3A_292, %swap3A_293], %broadcast_in_dim3A_282 {strides = array<i32>} : memref<32x128xf32, #tpu.memory_space<vmem>>, vector<1x128xf32>,
        %swap3A_295 = arith.constant 16 : index
        %swap3A_296 = arith.constant 0 : index
        %swap3A_297 = vector.load %arg6[%swap3A_295, %swap3A_296] : memref<32x128xi32, #tpu.memory_space<vmem>>, vector<1x128xi32>
        tpu.vector_store %arg6[%swap3A_295, %swap3A_296], %broadcast_in_dim3A_291 {strides = array<i32>} : memref<32x128xi32, #tpu.memory_space<vmem>>, vector<1x128xi32>,
      } else {
      }
      %gt3A_83 = arith.constant 7 : i32
      %gt3A_84 = arith.cmpi sgt, %min3A_28, %gt3A_83 : i32
      %convert_element_type3A_85 = arith.extui %gt3A_84 : i1 to i32
      %cond3A_86 = arith.constant 0 : i32
      %cond3A_87 = arith.cmpi ne, %convert_element_type3A_85, %cond3A_86 : i32
      scf.if %cond3A_87 {
        %get3A_265 = arith.constant 16 : index
        %get3A_266 = arith.constant 0 : index
        %get3A_267 = vector.load %arg5[%get3A_265, %get3A_266] : memref<32x128xf32, #tpu.memory_space<vmem>>, vector<1x128xf32>
        %get3A_268 = arith.constant 16 : index
        %get3A_269 = arith.constant 0 : index
        %get3A_270 = vector.load %arg6[%get3A_268, %get3A_269] : memref<32x128xi32, #tpu.memory_space<vmem>>, vector<1x128xi32>
        %lt3A_271 = vector.broadcast %get3A_267 : vector<1x128xf32> to vector<2048x128xf32>
        %lt3A_272 = arith.cmpf olt, %select_n3A, %lt3A_271 : vector<2048x128xf32>
        %eq3A_273 = vector.broadcast %get3A_267 : vector<1x128xf32> to vector<2048x128xf32>
        %eq3A_274 = arith.cmpf oeq, %select_n3A, %eq3A_273 : vector<2048x128xf32>
        %gt3A_275 = vector.broadcast %get3A_270 : vector<1x128xi32> to vector<2048x128xi32>
        %gt3A_276 = arith.cmpi sgt, %add3A_10, %gt3A_275 : vector<2048x128xi32>
        %and3A = arith.andi %eq3A_274, %gt3A_276 : vector<2048x128xi1>
        %or3A = arith.ori %lt3A_272, %and3A : vector<2048x128xi1>
        %jit3A_277 = arith.constant 0xFF800000 : f32
        %broadcast_in_dim3A_278 = vector.broadcast %jit3A_277 : f32 to vector<2048x128xf32>
        %select_n3A_279 = arith.select %or3A, %select_n3A, %broadcast_in_dim3A_278 : vector<2048x128xi1>, vector<2048x128xf32>
        %reduce_max3A_280 = arith.constant dense<0xFF800000> : vector<128xf32>
        %reduce_max3A_281 = vector.multi_reduction <maximumf>, %select_n3A_279, %reduce_max3A_280 [0] : vector<2048x128xf32> to vector<128xf32>
        %broadcast_in_dim3A_282 = vector.shape_cast %reduce_max3A_281 : vector<128xf32> to vector<1x128xf32>
        %eq3A_283 = vector.broadcast %broadcast_in_dim3A_282 : vector<1x128xf32> to vector<2048x128xf32>
        %eq3A_284 = arith.cmpf oeq, %select_n3A, %eq3A_283 : vector<2048x128xf32>
        %and3A_285 = arith.andi %or3A, %eq3A_284 : vector<2048x128xi1>
        %jit3A_286 = arith.constant 2147483647 : i32
        %broadcast_in_dim3A_287 = vector.broadcast %jit3A_286 : i32 to vector<2048x128xi32>
        %select_n3A_288 = arith.select %and3A_285, %add3A_10, %broadcast_in_dim3A_287 : vector<2048x128xi1>, vector<2048x128xi32>
        %reduce_min3A_289 = arith.constant dense<2147483647> : vector<128xi32>
        %reduce_min3A_290 = vector.multi_reduction <minsi>, %select_n3A_288, %reduce_min3A_289 [0] : vector<2048x128xi32> to vector<128xi32>
        %broadcast_in_dim3A_291 = vector.shape_cast %reduce_min3A_290 : vector<128xi32> to vector<1x128xi32>
        %swap3A_292 = arith.constant 17 : index
        %swap3A_293 = arith.constant 0 : index
        %swap3A_294 = vector.load %arg5[%swap3A_292, %swap3A_293] : memref<32x128xf32, #tpu.memory_space<vmem>>, vector<1x128xf32>
        tpu.vector_store %arg5[%swap3A_292, %swap3A_293], %broadcast_in_dim3A_282 {strides = array<i32>} : memref<32x128xf32, #tpu.memory_space<vmem>>, vector<1x128xf32>,
        %swap3A_295 = arith.constant 17 : index
        %swap3A_296 = arith.constant 0 : index
        %swap3A_297 = vector.load %arg6[%swap3A_295, %swap3A_296] : memref<32x128xi32, #tpu.memory_space<vmem>>, vector<1x128xi32>
        tpu.vector_store %arg6[%swap3A_295, %swap3A_296], %broadcast_in_dim3A_291 {strides = array<i32>} : memref<32x128xi32, #tpu.memory_space<vmem>>, vector<1x128xi32>,
      } else {
      }
      %gt3A_88 = arith.constant 8 : i32
      %gt3A_89 = arith.cmpi sgt, %min3A_28, %gt3A_88 : i32
      %convert_element_type3A_90 = arith.extui %gt3A_89 : i1 to i32
      %cond3A_91 = arith.constant 0 : i32
      %cond3A_92 = arith.cmpi ne, %convert_element_type3A_90, %cond3A_91 : i32
      scf.if %cond3A_92 {
        %get3A_265 = arith.constant 17 : index
        %get3A_266 = arith.constant 0 : index
        %get3A_267 = vector.load %arg5[%get3A_265, %get3A_266] : memref<32x128xf32, #tpu.memory_space<vmem>>, vector<1x128xf32>
        %get3A_268 = arith.constant 17 : index
        %get3A_269 = arith.constant 0 : index
        %get3A_270 = vector.load %arg6[%get3A_268, %get3A_269] : memref<32x128xi32, #tpu.memory_space<vmem>>, vector<1x128xi32>
        %lt3A_271 = vector.broadcast %get3A_267 : vector<1x128xf32> to vector<2048x128xf32>
        %lt3A_272 = arith.cmpf olt, %select_n3A, %lt3A_271 : vector<2048x128xf32>
        %eq3A_273 = vector.broadcast %get3A_267 : vector<1x128xf32> to vector<2048x128xf32>
        %eq3A_274 = arith.cmpf oeq, %select_n3A, %eq3A_273 : vector<2048x128xf32>
        %gt3A_275 = vector.broadcast %get3A_270 : vector<1x128xi32> to vector<2048x128xi32>
        %gt3A_276 = arith.cmpi sgt, %add3A_10, %gt3A_275 : vector<2048x128xi32>
        %and3A = arith.andi %eq3A_274, %gt3A_276 : vector<2048x128xi1>
        %or3A = arith.ori %lt3A_272, %and3A : vector<2048x128xi1>
        %jit3A_277 = arith.constant 0xFF800000 : f32
        %broadcast_in_dim3A_278 = vector.broadcast %jit3A_277 : f32 to vector<2048x128xf32>
        %select_n3A_279 = arith.select %or3A, %select_n3A, %broadcast_in_dim3A_278 : vector<2048x128xi1>, vector<2048x128xf32>
        %reduce_max3A_280 = arith.constant dense<0xFF800000> : vector<128xf32>
        %reduce_max3A_281 = vector.multi_reduction <maximumf>, %select_n3A_279, %reduce_max3A_280 [0] : vector<2048x128xf32> to vector<128xf32>
        %broadcast_in_dim3A_282 = vector.shape_cast %reduce_max3A_281 : vector<128xf32> to vector<1x128xf32>
        %eq3A_283 = vector.broadcast %broadcast_in_dim3A_282 : vector<1x128xf32> to vector<2048x128xf32>
        %eq3A_284 = arith.cmpf oeq, %select_n3A, %eq3A_283 : vector<2048x128xf32>
        %and3A_285 = arith.andi %or3A, %eq3A_284 : vector<2048x128xi1>
        %jit3A_286 = arith.constant 2147483647 : i32
        %broadcast_in_dim3A_287 = vector.broadcast %jit3A_286 : i32 to vector<2048x128xi32>
        %select_n3A_288 = arith.select %and3A_285, %add3A_10, %broadcast_in_dim3A_287 : vector<2048x128xi1>, vector<2048x128xi32>
        %reduce_min3A_289 = arith.constant dense<2147483647> : vector<128xi32>
        %reduce_min3A_290 = vector.multi_reduction <minsi>, %select_n3A_288, %reduce_min3A_289 [0] : vector<2048x128xi32> to vector<128xi32>
        %broadcast_in_dim3A_291 = vector.shape_cast %reduce_min3A_290 : vector<128xi32> to vector<1x128xi32>
        %swap3A_292 = arith.constant 18 : index
        %swap3A_293 = arith.constant 0 : index
        %swap3A_294 = vector.load %arg5[%swap3A_292, %swap3A_293] : memref<32x128xf32, #tpu.memory_space<vmem>>, vector<1x128xf32>
        tpu.vector_store %arg5[%swap3A_292, %swap3A_293], %broadcast_in_dim3A_282 {strides = array<i32>} : memref<32x128xf32, #tpu.memory_space<vmem>>, vector<1x128xf32>,
        %swap3A_295 = arith.constant 18 : index
        %swap3A_296 = arith.constant 0 : index
        %swap3A_297 = vector.load %arg6[%swap3A_295, %swap3A_296] : memref<32x128xi32, #tpu.memory_space<vmem>>, vector<1x128xi32>
        tpu.vector_store %arg6[%swap3A_295, %swap3A_296], %broadcast_in_dim3A_291 {strides = array<i32>} : memref<32x128xi32, #tpu.memory_space<vmem>>, vector<1x128xi32>,
      } else {
      }
      %gt3A_93 = arith.constant 9 : i32
      %gt3A_94 = arith.cmpi sgt, %min3A_28, %gt3A_93 : i32
      %convert_element_type3A_95 = arith.extui %gt3A_94 : i1 to i32
      %cond3A_96 = arith.constant 0 : i32
      %cond3A_97 = arith.cmpi ne, %convert_element_type3A_95, %cond3A_96 : i32
      scf.if %cond3A_97 {
        %get3A_265 = arith.constant 18 : index
        %get3A_266 = arith.constant 0 : index
        %get3A_267 = vector.load %arg5[%get3A_265, %get3A_266] : memref<32x128xf32, #tpu.memory_space<vmem>>, vector<1x128xf32>
        %get3A_268 = arith.constant 18 : index
        %get3A_269 = arith.constant 0 : index
        %get3A_270 = vector.load %arg6[%get3A_268, %get3A_269] : memref<32x128xi32, #tpu.memory_space<vmem>>, vector<1x128xi32>
        %lt3A_271 = vector.broadcast %get3A_267 : vector<1x128xf32> to vector<2048x128xf32>
        %lt3A_272 = arith.cmpf olt, %select_n3A, %lt3A_271 : vector<2048x128xf32>
        %eq3A_273 = vector.broadcast %get3A_267 : vector<1x128xf32> to vector<2048x128xf32>
        %eq3A_274 = arith.cmpf oeq, %select_n3A, %eq3A_273 : vector<2048x128xf32>
        %gt3A_275 = vector.broadcast %get3A_270 : vector<1x128xi32> to vector<2048x128xi32>
        %gt3A_276 = arith.cmpi sgt, %add3A_10, %gt3A_275 : vector<2048x128xi32>
        %and3A = arith.andi %eq3A_274, %gt3A_276 : vector<2048x128xi1>
        %or3A = arith.ori %lt3A_272, %and3A : vector<2048x128xi1>
        %jit3A_277 = arith.constant 0xFF800000 : f32
        %broadcast_in_dim3A_278 = vector.broadcast %jit3A_277 : f32 to vector<2048x128xf32>
        %select_n3A_279 = arith.select %or3A, %select_n3A, %broadcast_in_dim3A_278 : vector<2048x128xi1>, vector<2048x128xf32>
        %reduce_max3A_280 = arith.constant dense<0xFF800000> : vector<128xf32>
        %reduce_max3A_281 = vector.multi_reduction <maximumf>, %select_n3A_279, %reduce_max3A_280 [0] : vector<2048x128xf32> to vector<128xf32>
        %broadcast_in_dim3A_282 = vector.shape_cast %reduce_max3A_281 : vector<128xf32> to vector<1x128xf32>
        %eq3A_283 = vector.broadcast %broadcast_in_dim3A_282 : vector<1x128xf32> to vector<2048x128xf32>
        %eq3A_284 = arith.cmpf oeq, %select_n3A, %eq3A_283 : vector<2048x128xf32>
        %and3A_285 = arith.andi %or3A, %eq3A_284 : vector<2048x128xi1>
        %jit3A_286 = arith.constant 2147483647 : i32
        %broadcast_in_dim3A_287 = vector.broadcast %jit3A_286 : i32 to vector<2048x128xi32>
        %select_n3A_288 = arith.select %and3A_285, %add3A_10, %broadcast_in_dim3A_287 : vector<2048x128xi1>, vector<2048x128xi32>
        %reduce_min3A_289 = arith.constant dense<2147483647> : vector<128xi32>
        %reduce_min3A_290 = vector.multi_reduction <minsi>, %select_n3A_288, %reduce_min3A_289 [0] : vector<2048x128xi32> to vector<128xi32>
        %broadcast_in_dim3A_291 = vector.shape_cast %reduce_min3A_290 : vector<128xi32> to vector<1x128xi32>
        %swap3A_292 = arith.constant 19 : index
        %swap3A_293 = arith.constant 0 : index
        %swap3A_294 = vector.load %arg5[%swap3A_292, %swap3A_293] : memref<32x128xf32, #tpu.memory_space<vmem>>, vector<1x128xf32>
        tpu.vector_store %arg5[%swap3A_292, %swap3A_293], %broadcast_in_dim3A_282 {strides = array<i32>} : memref<32x128xf32, #tpu.memory_space<vmem>>, vector<1x128xf32>,
        %swap3A_295 = arith.constant 19 : index
        %swap3A_296 = arith.constant 0 : index
        %swap3A_297 = vector.load %arg6[%swap3A_295, %swap3A_296] : memref<32x128xi32, #tpu.memory_space<vmem>>, vector<1x128xi32>
        tpu.vector_store %arg6[%swap3A_295, %swap3A_296], %broadcast_in_dim3A_291 {strides = array<i32>} : memref<32x128xi32, #tpu.memory_space<vmem>>, vector<1x128xi32>,
      } else {
      }
      %get3A_98 = arith.constant 0 : index
      %get3A_99 = arith.constant 0 : index
      %get3A_100 = vector.load %arg5[%get3A_98, %get3A_99] : memref<32x128xf32, #tpu.memory_space<vmem>>, vector<20x128xf32>
      %get3A_101 = arith.constant 0 : index
      %get3A_102 = arith.constant 0 : index
      %get3A_103 = vector.load %arg6[%get3A_101, %get3A_102] : memref<32x128xi32, #tpu.memory_space<vmem>>, vector<20x128xi32>
      %reduce_max3A_104 = arith.constant dense<0xFF800000> : vector<128xf32>
      %reduce_max3A_105 = vector.multi_reduction <maximumf>, %get3A_100, %reduce_max3A_104 [0] : vector<20x128xf32> to vector<128xf32>
      %broadcast_in_dim3A_106 = vector.shape_cast %reduce_max3A_105 : vector<128xf32> to vector<1x128xf32>
      %eq3A_107 = vector.broadcast %broadcast_in_dim3A_106 : vector<1x128xf32> to vector<20x128xf32>
      %eq3A_108 = arith.cmpf oeq, %get3A_100, %eq3A_107 : vector<20x128xf32>
      %jit3A_109 = arith.constant 2147483647 : i32
      %broadcast_in_dim3A_110 = vector.broadcast %jit3A_109 : i32 to vector<20x128xi32>
      %select_n3A_111 = arith.select %eq3A_108, %get3A_103, %broadcast_in_dim3A_110 : vector<20x128xi1>, vector<20x128xi32>
      %reduce_min3A = arith.constant dense<2147483647> : vector<128xi32>
      %reduce_min3A_112 = vector.multi_reduction <minsi>, %select_n3A_111, %reduce_min3A [0] : vector<20x128xi32> to vector<128xi32>
      %broadcast_in_dim3A_113 = vector.shape_cast %reduce_min3A_112 : vector<128xi32> to vector<1x128xi32>
      %eq3A_114 = vector.broadcast %broadcast_in_dim3A_113 : vector<1x128xi32> to vector<20x128xi32>
      %eq3A_115 = arith.cmpi eq, %get3A_103, %eq3A_114 : vector<20x128xi32>
      %jit3A_116 = arith.constant 0xFF800000 : f32
      %broadcast_in_dim3A_117 = vector.broadcast %jit3A_116 : f32 to vector<20x128xf32>
      %select_n3A_118 = arith.select %eq3A_115, %broadcast_in_dim3A_117, %get3A_100 : vector<20x128xi1>, vector<20x128xf32>
      %reduce_max3A_119 = arith.constant dense<0xFF800000> : vector<128xf32>
      %reduce_max3A_120 = vector.multi_reduction <maximumf>, %select_n3A_118, %reduce_max3A_119 [0] : vector<20x128xf32> to vector<128xf32>
      %broadcast_in_dim3A_121 = vector.shape_cast %reduce_max3A_120 : vector<128xf32> to vector<1x128xf32>
      %eq3A_122 = vector.broadcast %broadcast_in_dim3A_121 : vector<1x128xf32> to vector<20x128xf32>
      %eq3A_123 = arith.cmpf oeq, %select_n3A_118, %eq3A_122 : vector<20x128xf32>
      %jit3A_124 = arith.constant 2147483647 : i32
      %broadcast_in_dim3A_125 = vector.broadcast %jit3A_124 : i32 to vector<20x128xi32>
      %select_n3A_126 = arith.select %eq3A_123, %get3A_103, %broadcast_in_dim3A_125 : vector<20x128xi1>, vector<20x128xi32>
      %reduce_min3A_127 = arith.constant dense<2147483647> : vector<128xi32>
      %reduce_min3A_128 = vector.multi_reduction <minsi>, %select_n3A_126, %reduce_min3A_127 [0] : vector<20x128xi32> to vector<128xi32>
      %broadcast_in_dim3A_129 = vector.shape_cast %reduce_min3A_128 : vector<128xi32> to vector<1x128xi32>
      %eq3A_130 = vector.broadcast %broadcast_in_dim3A_129 : vector<1x128xi32> to vector<20x128xi32>
      %eq3A_131 = arith.cmpi eq, %get3A_103, %eq3A_130 : vector<20x128xi32>
      %jit3A_132 = arith.constant 0xFF800000 : f32
      %broadcast_in_dim3A_133 = vector.broadcast %jit3A_132 : f32 to vector<20x128xf32>
      %select_n3A_134 = arith.select %eq3A_131, %broadcast_in_dim3A_133, %select_n3A_118 : vector<20x128xi1>, vector<20x128xf32>
      %reduce_max3A_135 = arith.constant dense<0xFF800000> : vector<128xf32>
      %reduce_max3A_136 = vector.multi_reduction <maximumf>, %select_n3A_134, %reduce_max3A_135 [0] : vector<20x128xf32> to vector<128xf32>
      %broadcast_in_dim3A_137 = vector.shape_cast %reduce_max3A_136 : vector<128xf32> to vector<1x128xf32>
      %eq3A_138 = vector.broadcast %broadcast_in_dim3A_137 : vector<1x128xf32> to vector<20x128xf32>
      %eq3A_139 = arith.cmpf oeq, %select_n3A_134, %eq3A_138 : vector<20x128xf32>
      %jit3A_140 = arith.constant 2147483647 : i32
      %broadcast_in_dim3A_141 = vector.broadcast %jit3A_140 : i32 to vector<20x128xi32>
      %select_n3A_142 = arith.select %eq3A_139, %get3A_103, %broadcast_in_dim3A_141 : vector<20x128xi1>, vector<20x128xi32>
      %reduce_min3A_143 = arith.constant dense<2147483647> : vector<128xi32>
      %reduce_min3A_144 = vector.multi_reduction <minsi>, %select_n3A_142, %reduce_min3A_143 [0] : vector<20x128xi32> to vector<128xi32>
      %broadcast_in_dim3A_145 = vector.shape_cast %reduce_min3A_144 : vector<128xi32> to vector<1x128xi32>
      %eq3A_146 = vector.broadcast %broadcast_in_dim3A_145 : vector<1x128xi32> to vector<20x128xi32>
      %eq3A_147 = arith.cmpi eq, %get3A_103, %eq3A_146 : vector<20x128xi32>
      %jit3A_148 = arith.constant 0xFF800000 : f32
      %broadcast_in_dim3A_149 = vector.broadcast %jit3A_148 : f32 to vector<20x128xf32>
      %select_n3A_150 = arith.select %eq3A_147, %broadcast_in_dim3A_149, %select_n3A_134 : vector<20x128xi1>, vector<20x128xf32>
      %reduce_max3A_151 = arith.constant dense<0xFF800000> : vector<128xf32>
      %reduce_max3A_152 = vector.multi_reduction <maximumf>, %select_n3A_150, %reduce_max3A_151 [0] : vector<20x128xf32> to vector<128xf32>
      %broadcast_in_dim3A_153 = vector.shape_cast %reduce_max3A_152 : vector<128xf32> to vector<1x128xf32>
      %eq3A_154 = vector.broadcast %broadcast_in_dim3A_153 : vector<1x128xf32> to vector<20x128xf32>
      %eq3A_155 = arith.cmpf oeq, %select_n3A_150, %eq3A_154 : vector<20x128xf32>
      %jit3A_156 = arith.constant 2147483647 : i32
      %broadcast_in_dim3A_157 = vector.broadcast %jit3A_156 : i32 to vector<20x128xi32>
      %select_n3A_158 = arith.select %eq3A_155, %get3A_103, %broadcast_in_dim3A_157 : vector<20x128xi1>, vector<20x128xi32>
      %reduce_min3A_159 = arith.constant dense<2147483647> : vector<128xi32>
      %reduce_min3A_160 = vector.multi_reduction <minsi>, %select_n3A_158, %reduce_min3A_159 [0] : vector<20x128xi32> to vector<128xi32>
      %broadcast_in_dim3A_161 = vector.shape_cast %reduce_min3A_160 : vector<128xi32> to vector<1x128xi32>
      %eq3A_162 = vector.broadcast %broadcast_in_dim3A_161 : vector<1x128xi32> to vector<20x128xi32>
      %eq3A_163 = arith.cmpi eq, %get3A_103, %eq3A_162 : vector<20x128xi32>
      %jit3A_164 = arith.constant 0xFF800000 : f32
      %broadcast_in_dim3A_165 = vector.broadcast %jit3A_164 : f32 to vector<20x128xf32>
      %select_n3A_166 = arith.select %eq3A_163, %broadcast_in_dim3A_165, %select_n3A_150 : vector<20x128xi1>, vector<20x128xf32>
      %reduce_max3A_167 = arith.constant dense<0xFF800000> : vector<128xf32>
      %reduce_max3A_168 = vector.multi_reduction <maximumf>, %select_n3A_166, %reduce_max3A_167 [0] : vector<20x128xf32> to vector<128xf32>
      %broadcast_in_dim3A_169 = vector.shape_cast %reduce_max3A_168 : vector<128xf32> to vector<1x128xf32>
      %eq3A_170 = vector.broadcast %broadcast_in_dim3A_169 : vector<1x128xf32> to vector<20x128xf32>
      %eq3A_171 = arith.cmpf oeq, %select_n3A_166, %eq3A_170 : vector<20x128xf32>
      %jit3A_172 = arith.constant 2147483647 : i32
      %broadcast_in_dim3A_173 = vector.broadcast %jit3A_172 : i32 to vector<20x128xi32>
      %select_n3A_174 = arith.select %eq3A_171, %get3A_103, %broadcast_in_dim3A_173 : vector<20x128xi1>, vector<20x128xi32>
      %reduce_min3A_175 = arith.constant dense<2147483647> : vector<128xi32>
      %reduce_min3A_176 = vector.multi_reduction <minsi>, %select_n3A_174, %reduce_min3A_175 [0] : vector<20x128xi32> to vector<128xi32>
      %broadcast_in_dim3A_177 = vector.shape_cast %reduce_min3A_176 : vector<128xi32> to vector<1x128xi32>
      %eq3A_178 = vector.broadcast %broadcast_in_dim3A_177 : vector<1x128xi32> to vector<20x128xi32>
      %eq3A_179 = arith.cmpi eq, %get3A_103, %eq3A_178 : vector<20x128xi32>
      %jit3A_180 = arith.constant 0xFF800000 : f32
      %broadcast_in_dim3A_181 = vector.broadcast %jit3A_180 : f32 to vector<20x128xf32>
      %select_n3A_182 = arith.select %eq3A_179, %broadcast_in_dim3A_181, %select_n3A_166 : vector<20x128xi1>, vector<20x128xf32>
      %reduce_max3A_183 = arith.constant dense<0xFF800000> : vector<128xf32>
      %reduce_max3A_184 = vector.multi_reduction <maximumf>, %select_n3A_182, %reduce_max3A_183 [0] : vector<20x128xf32> to vector<128xf32>
      %broadcast_in_dim3A_185 = vector.shape_cast %reduce_max3A_184 : vector<128xf32> to vector<1x128xf32>
      %eq3A_186 = vector.broadcast %broadcast_in_dim3A_185 : vector<1x128xf32> to vector<20x128xf32>
      %eq3A_187 = arith.cmpf oeq, %select_n3A_182, %eq3A_186 : vector<20x128xf32>
      %jit3A_188 = arith.constant 2147483647 : i32
      %broadcast_in_dim3A_189 = vector.broadcast %jit3A_188 : i32 to vector<20x128xi32>
      %select_n3A_190 = arith.select %eq3A_187, %get3A_103, %broadcast_in_dim3A_189 : vector<20x128xi1>, vector<20x128xi32>
      %reduce_min3A_191 = arith.constant dense<2147483647> : vector<128xi32>
      %reduce_min3A_192 = vector.multi_reduction <minsi>, %select_n3A_190, %reduce_min3A_191 [0] : vector<20x128xi32> to vector<128xi32>
      %broadcast_in_dim3A_193 = vector.shape_cast %reduce_min3A_192 : vector<128xi32> to vector<1x128xi32>
      %eq3A_194 = vector.broadcast %broadcast_in_dim3A_193 : vector<1x128xi32> to vector<20x128xi32>
      %eq3A_195 = arith.cmpi eq, %get3A_103, %eq3A_194 : vector<20x128xi32>
      %jit3A_196 = arith.constant 0xFF800000 : f32
      %broadcast_in_dim3A_197 = vector.broadcast %jit3A_196 : f32 to vector<20x128xf32>
      %select_n3A_198 = arith.select %eq3A_195, %broadcast_in_dim3A_197, %select_n3A_182 : vector<20x128xi1>, vector<20x128xf32>
      %reduce_max3A_199 = arith.constant dense<0xFF800000> : vector<128xf32>
      %reduce_max3A_200 = vector.multi_reduction <maximumf>, %select_n3A_198, %reduce_max3A_199 [0] : vector<20x128xf32> to vector<128xf32>
      %broadcast_in_dim3A_201 = vector.shape_cast %reduce_max3A_200 : vector<128xf32> to vector<1x128xf32>
      %eq3A_202 = vector.broadcast %broadcast_in_dim3A_201 : vector<1x128xf32> to vector<20x128xf32>
      %eq3A_203 = arith.cmpf oeq, %select_n3A_198, %eq3A_202 : vector<20x128xf32>
      %jit3A_204 = arith.constant 2147483647 : i32
      %broadcast_in_dim3A_205 = vector.broadcast %jit3A_204 : i32 to vector<20x128xi32>
      %select_n3A_206 = arith.select %eq3A_203, %get3A_103, %broadcast_in_dim3A_205 : vector<20x128xi1>, vector<20x128xi32>
      %reduce_min3A_207 = arith.constant dense<2147483647> : vector<128xi32>
      %reduce_min3A_208 = vector.multi_reduction <minsi>, %select_n3A_206, %reduce_min3A_207 [0] : vector<20x128xi32> to vector<128xi32>
      %broadcast_in_dim3A_209 = vector.shape_cast %reduce_min3A_208 : vector<128xi32> to vector<1x128xi32>
      %eq3A_210 = vector.broadcast %broadcast_in_dim3A_209 : vector<1x128xi32> to vector<20x128xi32>
      %eq3A_211 = arith.cmpi eq, %get3A_103, %eq3A_210 : vector<20x128xi32>
      %jit3A_212 = arith.constant 0xFF800000 : f32
      %broadcast_in_dim3A_213 = vector.broadcast %jit3A_212 : f32 to vector<20x128xf32>
      %select_n3A_214 = arith.select %eq3A_211, %broadcast_in_dim3A_213, %select_n3A_198 : vector<20x128xi1>, vector<20x128xf32>
      %reduce_max3A_215 = arith.constant dense<0xFF800000> : vector<128xf32>
      %reduce_max3A_216 = vector.multi_reduction <maximumf>, %select_n3A_214, %reduce_max3A_215 [0] : vector<20x128xf32> to vector<128xf32>
      %broadcast_in_dim3A_217 = vector.shape_cast %reduce_max3A_216 : vector<128xf32> to vector<1x128xf32>
      %eq3A_218 = vector.broadcast %broadcast_in_dim3A_217 : vector<1x128xf32> to vector<20x128xf32>
      %eq3A_219 = arith.cmpf oeq, %select_n3A_214, %eq3A_218 : vector<20x128xf32>
      %jit3A_220 = arith.constant 2147483647 : i32
      %broadcast_in_dim3A_221 = vector.broadcast %jit3A_220 : i32 to vector<20x128xi32>
      %select_n3A_222 = arith.select %eq3A_219, %get3A_103, %broadcast_in_dim3A_221 : vector<20x128xi1>, vector<20x128xi32>
      %reduce_min3A_223 = arith.constant dense<2147483647> : vector<128xi32>
      %reduce_min3A_224 = vector.multi_reduction <minsi>, %select_n3A_222, %reduce_min3A_223 [0] : vector<20x128xi32> to vector<128xi32>
      %broadcast_in_dim3A_225 = vector.shape_cast %reduce_min3A_224 : vector<128xi32> to vector<1x128xi32>
      %eq3A_226 = vector.broadcast %broadcast_in_dim3A_225 : vector<1x128xi32> to vector<20x128xi32>
      %eq3A_227 = arith.cmpi eq, %get3A_103, %eq3A_226 : vector<20x128xi32>
      %jit3A_228 = arith.constant 0xFF800000 : f32
      %broadcast_in_dim3A_229 = vector.broadcast %jit3A_228 : f32 to vector<20x128xf32>
      %select_n3A_230 = arith.select %eq3A_227, %broadcast_in_dim3A_229, %select_n3A_214 : vector<20x128xi1>, vector<20x128xf32>
      %reduce_max3A_231 = arith.constant dense<0xFF800000> : vector<128xf32>
      %reduce_max3A_232 = vector.multi_reduction <maximumf>, %select_n3A_230, %reduce_max3A_231 [0] : vector<20x128xf32> to vector<128xf32>
      %broadcast_in_dim3A_233 = vector.shape_cast %reduce_max3A_232 : vector<128xf32> to vector<1x128xf32>
      %eq3A_234 = vector.broadcast %broadcast_in_dim3A_233 : vector<1x128xf32> to vector<20x128xf32>
      %eq3A_235 = arith.cmpf oeq, %select_n3A_230, %eq3A_234 : vector<20x128xf32>
      %jit3A_236 = arith.constant 2147483647 : i32
      %broadcast_in_dim3A_237 = vector.broadcast %jit3A_236 : i32 to vector<20x128xi32>
      %select_n3A_238 = arith.select %eq3A_235, %get3A_103, %broadcast_in_dim3A_237 : vector<20x128xi1>, vector<20x128xi32>
      %reduce_min3A_239 = arith.constant dense<2147483647> : vector<128xi32>
      %reduce_min3A_240 = vector.multi_reduction <minsi>, %select_n3A_238, %reduce_min3A_239 [0] : vector<20x128xi32> to vector<128xi32>
      %broadcast_in_dim3A_241 = vector.shape_cast %reduce_min3A_240 : vector<128xi32> to vector<1x128xi32>
      %eq3A_242 = vector.broadcast %broadcast_in_dim3A_241 : vector<1x128xi32> to vector<20x128xi32>
      %eq3A_243 = arith.cmpi eq, %get3A_103, %eq3A_242 : vector<20x128xi32>
      %jit3A_244 = arith.constant 0xFF800000 : f32
      %broadcast_in_dim3A_245 = vector.broadcast %jit3A_244 : f32 to vector<20x128xf32>
      %select_n3A_246 = arith.select %eq3A_243, %broadcast_in_dim3A_245, %select_n3A_230 : vector<20x128xi1>, vector<20x128xf32>
      %reduce_max3A_247 = arith.constant dense<0xFF800000> : vector<128xf32>
      %reduce_max3A_248 = vector.multi_reduction <maximumf>, %select_n3A_246, %reduce_max3A_247 [0] : vector<20x128xf32> to vector<128xf32>
      %broadcast_in_dim3A_249 = vector.shape_cast %reduce_max3A_248 : vector<128xf32> to vector<1x128xf32>
      %eq3A_250 = vector.broadcast %broadcast_in_dim3A_249 : vector<1x128xf32> to vector<20x128xf32>
      %eq3A_251 = arith.cmpf oeq, %select_n3A_246, %eq3A_250 : vector<20x128xf32>
      %jit3A_252 = arith.constant 2147483647 : i32
      %broadcast_in_dim3A_253 = vector.broadcast %jit3A_252 : i32 to vector<20x128xi32>
      %select_n3A_254 = arith.select %eq3A_251, %get3A_103, %broadcast_in_dim3A_253 : vector<20x128xi1>, vector<20x128xi32>
      %reduce_min3A_255 = arith.constant dense<2147483647> : vector<128xi32>
      %reduce_min3A_256 = vector.multi_reduction <minsi>, %select_n3A_254, %reduce_min3A_255 [0] : vector<20x128xi32> to vector<128xi32>
      %broadcast_in_dim3A_257 = vector.shape_cast %reduce_min3A_256 : vector<128xi32> to vector<1x128xi32>
      %concatenate3A = tpu.concatenate %broadcast_in_dim3A_106, %broadcast_in_dim3A_121, %broadcast_in_dim3A_137, %broadcast_in_dim3A_153, %broadcast_in_dim3A_169, %broadcast_in_dim3A_185, %broadcast_in_dim3A_201, %broadcast_in_dim3A_217, %broadcast_in_dim3A_233, %broadcast_in_dim3A_249 in 0 : vector<1x128xf32>, vector<1x128xf32>, vector<1x128xf32>, vector<1x128xf32>, vector<1x128xf32>, vector<1x128xf32>, vector<1x128xf32>, vector<1x128xf32>, vector<1x128xf32>, vector<1x128xf32> -> vector<10x128xf32>
      %swap3A_258 = arith.constant 0 : index
      %swap3A_259 = arith.constant 0 : index
      %swap3A_260 = vector.load %arg5[%swap3A_258, %swap3A_259] : memref<32x128xf32, #tpu.memory_space<vmem>>, vector<10x128xf32>
      tpu.vector_store %arg5[%swap3A_258, %swap3A_259], %concatenate3A {strides = array<i32>} : memref<32x128xf32, #tpu.memory_space<vmem>>, vector<10x128xf32>,
      %concatenate3A_261 = tpu.concatenate %broadcast_in_dim3A_113, %broadcast_in_dim3A_129, %broadcast_in_dim3A_145, %broadcast_in_dim3A_161, %broadcast_in_dim3A_177, %broadcast_in_dim3A_193, %broadcast_in_dim3A_209, %broadcast_in_dim3A_225, %broadcast_in_dim3A_241, %broadcast_in_dim3A_257 in 0 : vector<1x128xi32>, vector<1x128xi32>, vector<1x128xi32>, vector<1x128xi32>, vector<1x128xi32>, vector<1x128xi32>, vector<1x128xi32>, vector<1x128xi32>, vector<1x128xi32>, vector<1x128xi32> -> vector<10x128xi32>
      %swap3A_262 = arith.constant 0 : index
      %swap3A_263 = arith.constant 0 : index
      %swap3A_264 = vector.load %arg6[%swap3A_262, %swap3A_263] : memref<32x128xi32, #tpu.memory_space<vmem>>, vector<10x128xi32>
      tpu.vector_store %arg6[%swap3A_262, %swap3A_263], %concatenate3A_261 {strides = array<i32>} : memref<32x128xi32, #tpu.memory_space<vmem>>, vector<10x128xi32>,
    } else {
    }
    %eq3A_34 = arith.constant 48 : i32
    %eq3A_35 = arith.cmpi eq, %arg1, %eq3A_34 : i32
    %convert_element_type3A_36 = arith.extui %eq3A_35 : i1 to i32
    %cond3A_37 = arith.constant 0 : i32
    %cond3A_38 = arith.cmpi ne, %convert_element_type3A_36, %cond3A_37 : i32
    scf.if %cond3A_38 {
      %get3A_39 = arith.constant 0 : index
      %get3A_40 = arith.constant 0 : index
      %get3A_41 = vector.load %arg6[%get3A_39, %get3A_40] : memref<32x128xi32, #tpu.memory_space<vmem>>, vector<10x128xi32>
      %broadcast_in_dim3A_42 = arith.constant 0 : i32
      %broadcast_in_dim3A_43 = vector.broadcast %broadcast_in_dim3A_42 : i32 to vector<6x128xi32>
      %concatenate3A = tpu.concatenate %get3A_41, %broadcast_in_dim3A_43 in 0 : vector<10x128xi32>, vector<6x128xi32> -> vector<16x128xi32>
      %swap3A = arith.constant 0 : index
      %swap3A_44 = arith.constant 0 : index
      %swap3A_45 = vector.load %arg4[%swap3A, %swap3A_44] : memref<16x128xi32, #tpu.memory_space<vmem>>, vector<16x128xi32>
      tpu.vector_store %arg4[%swap3A, %swap3A_44], %concatenate3A {strides = array<i32>} : memref<16x128xi32, #tpu.memory_space<vmem>>, vector<16x128xi32>,
    } else {
    }
    return
  }
  func.func @transform_0(%arg0: i32, %arg1: i32) -> (i32, i32) {
    %c0_i32 = arith.constant 0 : i32
    %c0_i32_0 = arith.constant 0 : i32
    return %arg0, %c0_i32 : i32, i32
  }
  func.func @transform_1(%arg0: i32, %arg1: i32) -> (i32, i32) {
    %c0_i32 = arith.constant 0 : i32
    %c0_i32_0 = arith.constant 0 : i32
    return %arg1, %c0_i32 : i32, i32
  }
  func.func @transform_2(%arg0: i32, %arg1: i32) -> (i32, i32) {
    %c0_i32 = arith.constant 0 : i32
    %c0_i32_0 = arith.constant 0 : i32
    return %arg0, %c0_i32 : i32, i32
  }
}

</mosaic_0001>

<sc_bundles>
// kernel: kernel.4.cloned.1.call-start
scs
__scs_entry_jumppad:
0x0: {  	(pc) =	sbr.rel $0x88, $3  }
0x1: {  	(tag) =	ssettag $0x0;
	lr =	simm.s32 $0x1  }
0x2: {  	[smem:$0x3F9E] =	sst lr;
	_ =	strace $0xD0000000  }
0x3: {  	_ = 	snop  }
0x4: {  	_ = 	snop  }
0x5: {  	_ = 	snop  }
0x6: {  	_ = 	snop  }
0x7: {  	_ = 	snop  }
__scs_overlays_trampoline_lowered:
0x8: {  	[smem:$0x3FAD] =	sst s0  }
0x9: {  	[smem:$0x3FAE] =	sst s1  }
0xa: {  	[smem:$0x3FAF] =	sst s2  }
0xb: {  	[smem:$0x3FB0] =	sst s3  }
0xc: {  	[smem:$0x3FB1] =	sst s4  }
0xd: {  	[smem:$0x3FB2] =	sst s5  }
0xe: {  	[smem:$0x3FB3] =	sst s6  }
0xf: {  	[smem:$0x3FB4] =	sst s7  }
0x10: {  	[smem:$0x3FB5] =	sst s8  }
0x11: {  	[smem:$0x3FB6] =	sst s9;
	s0 =	simm.s32 @!p0 $0x0  }
0x12: {  	s1 =	sld [smem:$0x3F9C];
	s0 =	simm.s32 @p0 $0x1  }
0x13: {  	[smem:$0x3FB7] =	sst s0;
	s0 =	simm.s32 @!p1 $0x0  }
0x14: {  	s2 =	sld [smem:$0x3F9B];
	s0 =	simm.s32 @p1 $0x1  }
0x15: {  	[smem:$0x3FB8] =	sst s0;
	s0 =	simm.s32 @!p2 $0x0  }
0x16: {  	s3 =	sld [smem:$0x3FDB];
	s0 =	simm.s32 @p2 $0x1  }
0x17: {  	s4 =	simm.s32 $0x1BF5;
	[smem:$0x3FBA] =	sst s0  }
0x18: {  	s0 =	sld [smem:$0x3F9D];
	_ =	swait.ge [sflag:s4], $0x0  }
0x19: {  	s7 =	sld [smem:$0x3F9E]  }
0x1a: {  	s8 =	sadd.s32 $0xFFFFE003, lr  }
0x1b: {  	s9 =	sadd.s32 $0xFFFFFEF7, lr;
	s5 =	simm.s32 $0xFFFFFFFF;
	p2 =	slt.u32 s8, $0xFFFFF086  }
0x1c: {  	p1 =	slt.u32 s9, $0xF7A;
	s5 =	simm.s32 @!p2 $0x0  }
0x1d: {  	s5 =	simm.s32 @p1 $0x1;
	p0 =	seq.s32 s7, s2  }
0x1e: {  	s7 =	smul.u32 @!p0 $0xF7A, s2;
	p2 =	seq.s32 @!p0 s5, $0x0  }
0x1f: {  	s9 =	smul.u32 $0xF7A, s1;
	s8 =	simm.s32 @!p0 $0x1BF5;
	p2 =	por !p2, p0  }
0x20: {  	[sflag:s8] =	ssyncset.s32 @!p0 $0xFFFFF086;
	s6 =	sadd.s32 @!p0 s3, s7;
	s7 =	simm.s32 @!p0 $0x108  }
0x21: {  	s3 =	sadd.s32 s3, s9;
	s6 =	sadd.s32 @!p0 $0x88, s6;
	s7 =	simm.s32 @p2 $0x1082  }
0x22: {  	[simem:s7], [sflag:s8] =	dma.local @!p0 [hbm:s6], $0xF7A  }
0x23: {  	s9 =	sor.u32 $0xD0000000, s2;
	s6 =	simm.s32 $0x108;
	_ =	swait.ge @!p0 [sflag:s8], $0x0  }
0x24: {  	s3 =	sadd.s32 $0x88, s3;
	s6 =	simm.s32 @!p1 $0x1082;
	[sflag:s4] =	ssyncset.s32 $0xFFFFF086  }
0x25: {  	[simem:s6], [sflag:s4] =	dma.local [hbm:s3], $0xF7A  }
0x26: {  	[smem:$0x3F9E] =	sst s1;
	(tag) =	ssettag s2;
	_ =	strace s9  }
0x27: {  	s1 =	sld [smem:$0x3FAE]  }
0x28: {  	s2 =	sld [smem:$0x3FAF]  }
0x29: {  	s4 =	sld [smem:$0x3FB1]  }
0x2a: {  	p0 =	seq.s32 s5, $0x0;
	s5 =	sld [smem:$0x3FB2]  }
0x2b: {  	s6 =	sld [smem:$0x3FB3]  }
0x2c: {  	s7 =	sld [smem:$0x3FB4]  }
0x2d: {  	s3 =	simm.s32 $0x108;
	s8 =	sld [smem:$0x3FB5]  }
0x2e: {  	s3 =	simm.s32 @!p0 $0x1082;
	s9 =	sld [smem:$0x3FB6]  }
0x2f: {  	lr =	sadd.s32 s0, s3;
	s0 =	sld [smem:$0x3FAD]  }
0x30: {  	s3 =	sld [smem:$0x3FB0]  }
0x31: {  	[smem:$0x3FB9] =	sst s10  }
0x32: {  	s10 =	sld [smem:$0x3FB7];
	_ =	sdelay $0x3  }
0x33: {  	p0 =	seq.s32 s10, $0x1;
	s10 =	sld [smem:$0x3FB9];
	_ =	sdelay $0x3  }
0x34: {  	[smem:$0x3FB9] =	sst s10  }
0x35: {  	s10 =	sld [smem:$0x3FB8];
	_ =	sdelay $0x3  }
0x36: {  	p1 =	seq.s32 s10, $0x1;
	s10 =	sld [smem:$0x3FB9];
	_ =	sdelay $0x3  }
0x37: {  	[smem:$0x3FB9] =	sst s10  }
0x38: {  	s10 =	sld [smem:$0x3FBA]  }
0x39: {  	_ = 	snop;
	(pc) =	sbr.ind lr, $3  }
0x3a: {  	_ = 	snop  }
0x3b: {  	_ = 	snop  }
0x3c: {  	p2 =	seq.s32 s10, $0x1;
	s10 =	sld [smem:$0x3FB9]  }
0x3d: {  	_ =	shalt  }
0x3e: {  	_ =	shalt  }
0x3f: {  	_ =	shalt  }
0x40: {  	_ =	shalt  }
0x41: {  	_ =	shalt  }
0x42: {  	_ =	shalt  }
0x43: {  	_ =	shalt  }
0x44: {  	_ =	shalt  }
0x45: {  	_ =	shalt  }
0x46: {  	_ =	shalt  }
0x47: {  	_ =	shalt  }
0x48: {  	_ =	shalt  }
0x49: {  	_ =	shalt  }
0x4a: {  	_ =	shalt  }
0x4b: {  	_ =	shalt  }
0x4c: {  	_ =	shalt  }
0x4d: {  	_ =	shalt  }
0x4e: {  	_ =	shalt  }
0x4f: {  	_ =	shalt  }
0x50: {  	_ =	shalt  }
0x51: {  	_ =	shalt  }
0x52: {  	_ =	shalt  }
0x53: {  	_ =	shalt  }
0x54: {  	_ =	shalt  }
0x55: {  	_ =	shalt  }
0x56: {  	_ =	shalt  }
0x57: {  	_ =	shalt  }
0x58: {  	_ =	shalt  }
0x59: {  	_ =	shalt  }
0x5a: {  	_ =	shalt  }
0x5b: {  	_ =	shalt  }
0x5c: {  	_ =	shalt  }
0x5d: {  	_ =	shalt  }
0x5e: {  	_ =	shalt  }
0x5f: {  	_ =	shalt  }
0x60: {  	_ =	shalt  }
0x61: {  	_ =	shalt  }
0x62: {  	_ =	shalt  }
0x63: {  	_ =	shalt  }
0x64: {  	_ =	shalt  }
0x65: {  	_ =	shalt  }
0x66: {  	_ =	shalt  }
0x67: {  	_ =	shalt  }
0x68: {  	_ =	shalt  }
0x69: {  	_ =	shalt  }
0x6a: {  	_ =	shalt  }
0x6b: {  	_ =	shalt  }
0x6c: {  	_ =	shalt  }
0x6d: {  	_ =	shalt  }
0x6e: {  	_ =	shalt  }
0x6f: {  	_ =	shalt  }
0x70: {  	_ =	shalt  }
0x71: {  	_ =	shalt  }
0x72: {  	_ =	shalt  }
0x73: {  	_ =	shalt  }
0x74: {  	_ =	shalt  }
0x75: {  	_ =	shalt  }
0x76: {  	_ =	shalt  }
0x77: {  	_ =	shalt  }
0x78: {  	_ =	shalt  }
0x79: {  	_ =	shalt  }
0x7a: {  	_ =	shalt  }
0x7b: {  	_ =	shalt  }
0x7c: {  	_ =	shalt  }
0x7d: {  	_ =	shalt  }
0x7e: {  	_ =	shalt  }
0x7f: {  	_ =	shalt  }
0x80: {  	_ =	shalt  }
0x81: {  	_ =	shalt  }
0x82: {  	_ =	shalt  }
0x83: {  	_ =	shalt  }
0x84: {  	_ =	shalt  }
0x85: {  	_ =	shalt  }
0x86: {  	_ =	shalt  }
0x87: {  	_ =	shalt  }
.Lfunc_end0:
.L_simem_size_0:
called_computation_lowered:
.L_overlay_start_0:
0x88: {  	s2 =	sld [smem:$0x3FD9]  }
0x89: {  	s3 =	sld [smem:$0x3FFE];
	_ =	sdelay $0x1  }
0x8a: {  	s1 =	srdreg.scid  }
0x8b: {  	s0 =	sand.u32 $0x1, s1  }
0x8c: {  	s17 =	sshll.u32 s0, $0xA;
	s2 =	sadd.s32 s3, s2  }
0x8d: {  	s2 =	sadd.s32 s2, s17  }
0x8e: {  	[smem:$0x3FC5] =	sst s2  }
0x8f: {  	_ = 	snop  }
0x90: {  	s2 =	sld [smem:$0x3FC7]  }
0x91: {  	s18 =	sld [smem:$0x3FD0];
	(tm) =	ssettm $0x1  }
0x92: {  	s4 =	sld [smem:$0x3FFB];
	_ =	sdelay $0x3  }
0x93: {  	_ =	strace s4  }
0x94: {  	s4 =	sld [smem:$0x3FFC];
	_ =	sdelay $0x3  }
0x95: {  	_ =	strace s4  }
0x96: {  	s4 =	sld [smem:$0x3FFD];
	_ =	sdelay $0x3  }
0x97: {  	_ =	strace s4  }
0x98: {  	_ =	strace $0x8FFFFFFF  }
0x99: {  	s19 =	sld [smem:$0x3FDB];
	_ =	sdelay $0x1  }
0x9a: {  	s5 =	simm.s32 $_scs_section_size  }
0x9b: {  	s6 =	simm.s32 $_size__tile_overlayer_lowered;
	s7 =	simm.s32 $_tile_overlayer_lowered  }
0x9c: {  	s22 =	simm.s32 $0x1BFF;
	s21 =	sshll.u32 s7, $0x1;
	s4 =	sadd.s32 s5, s19  }
0x9d: {  	s8 =	simm.s32 $0x0;
	s20 =	sshll.u32 s6, $0x1;
	s6 =	sadd.s32 s21, s4  }
0x9e: {  	[timem:s8], [sflag:s22] =	dma.local [hbm:s6], s20  }
0x9f: {  	_ =	swait.ge [sflag:s22], s20  }
0xa0: {  	s5 =	ssub.s32 $0x0, s20;
	[sflag:s22] =	ssyncset.done $0x0  }
0xa1: {  	[sflag:s22] =	ssyncadd.s32 s5;
	_ =	sdelay $0x1  }
0xa2: {  	s23 =	simm.s32 $0x1B8B  }
0xa3: {  	_ =	swait.ge [sflag:s23], $0x1  }
0xa4: {  	[sflag:s23] =	ssyncset.done $0x0  }
0xa5: {  	s25 =	simm.s32 $0x1B8E;
	s24 =	sld [smem:$0x3FFE];
	[sflag:s23] =	ssyncadd.s32 $0xFFFFFFFF  }
0xa6: {  	s26 =	simm.s32 $execute0_lowered;
	[smem:$0x3FD2] =	sst s25  }
0xa7: {  	s6 =	sshll.u32 s26, $0x1;
	_ =	strace $0x80000046;
	[dreg:$0x1] =	wrdreg $0xFFFFFFFF  }
0xa8: {  	s28 =	simm.s32 $_size_execute0_lowered;
	s4 =	sadd.s32 s4, s6;
	[dreg:$0x0] =	wrdreg $0x0  }
0xa9: {  	s6 =	sshll.u32 s28, $0x1;
	[dreg:$0x2] =	wrdreg s4  }
0xaa: {  	[dreg:$0x3] =	wrdreg s6  }
0xab: {  	[dreg:$0x4] =	wrdreg $0xC0  }
0xac: {  	_ =	task [dreg:s8], $0x5FFFF  }
0xad: {  	[dreg:$0x1] =	wrdreg $0xFFFFFFFF  }
0xae: {  	[dreg:$0x0] =	wrdreg $0x60  }
0xaf: {  	[dreg:$0x2] =	wrdreg s24  }
0xb0: {  	[dreg:$0x3] =	wrdreg s2  }
0xb1: {  	[dreg:$0x4] =	wrdreg s18  }
0xb2: {  	[dreg:$0x5] =	wrdreg $0x9  }
0xb3: {  	_ =	task.clear_ibuf [dreg:s8], $0x6FFFF;
	_ =	strace $0x90000046  }
0xb4: {  	s29 =	simm.s32 $0x9;
	_ =	strace $0x80000048  }
0xb5: {  	_ =	swait.ge [sflag:s29], $0x1  }
0xb6: {  	[sflag:s29] =	ssyncadd.s32 $0xFFFFFFFF  }
0xb7: {  	_ =	strace $0x90000048  }
0xb8: {  	_ =	sfence  }
0xb9: {  	s30 =	sld [smem:$0x0];
	_ =	sdelay $0x2  }
0xba: {  	s31 =	sshll.u32 s1, $0xD;
	s1 =	sshrl.u32 s1, $0x2  }
0xbb: {  	s3 =	sand.u32 $0x4000, s31;
	s1 =	sadd.s32 s1, s30  }
0xbc: {  	s0 =	sor.u32 s3, s0;
	s1 =	sshll.u32 s1, $0x11  }
0xbd: {  	s0 =	sor.u32 s1, s0  }
0xbe: {  	s0 =	sadd.s32 $0x8F2B, s0  }
0xbf: {  	[sflag:s0] =	ssyncadd.remote.s32 $0x1  }
0xc0: {  	_ =	sfence.sel $0xFFFF  }
0xc1: {  	[dreg:$0x0] =	wrdreg $0xFFFFFFFF;
	(pc) =	sbr.abs _section_cstart, $3  }
0xc2: {  	[dreg:$0x1] =	wrdreg $0xFFFFFFFF  }
0xc3: {  	_ =	task.clear_ibuf [dreg:s8], $0x2FFFF;
	_ =	strace $0x9FFFFFFF  }
0xc4: {  	(tm) =	ssettm $0x7FFFFFFF  }
0xc5: {  	_ =	shalt  }
tec
execute0_lowered:
.L_overlay_start_1:
0x0: {  	(tag) =	ssettag $0x1  }
0x1: {  	vm3 =	vcmask $0x2700  }
0x2: {  	v1 =	vimm.s32 $0x3E8;
	v0 =	vimm.f32 $0.0e+00;
	vm0 =	vcmask $0xF00  }
0x3: {  	v3 =	vimm.s32 $0xBB8;
	v4 =	vlaneseq.u32;
	v2 =	vimm.f32 $1.000000000e+00  }
0x4: {  	vm2 =	vcmask $0x700;
	vm4 =	vcmask $0x3710;
	vm1 =	vcmask $0x2F08  }
0x5: {  	v6 =	vimm.s32 $0x1B58;
	vm5 =	vcmask $0x1700;
	v7 =	vimm.s32 $0x2AF8  }
0x6: {  	v8 =	vimm.s32 $0x2328;
	v10 =	vimm.s32 $0x36B0;
	v11 =	vimm.s32 $0x3A98  }
0x7: {  	v12 =	vimm.s32 $0x4A38;
	v13 =	vimm.s32 $0x4268;
	v15 =	vimm.s32 $0x55F0  }
0x8: {  	s4 =	rddreg [dreg:$0x0];
	s2 =	srdreg.scid;
	v16 =	vimm.s32 $0x61A8;
	v17 =	vimm.s32 $0x59D8;
	v18 =	vimm.s32 $0x6978  }
0x9: {  	s0 =	stileid.u32;
	s1 =	rddreg [dreg:$0x1];
	v20 =	vimm.s32 $0x7530;
	v21 =	vimm.s32 $0x7918;
	v1 =	vsel vm3, $0x0, v1  }
0xa: {  	s6 =	rddreg [dreg:$0x2];
	s3 =	simm.s32 $0x0;
	s9 =	simm.s32 $0x180;
	v3 =	vsel vm0, $0x3E8, v3;
	v4 =	vshrl.u32 v4, $0x3;
	v6 =	vsel vm5, $0x1770, v6  }
0xb: {  	s10 =	simm.s32 $0x1C0;
	s11 =	simm.s32 $0x80;
	s12 =	simm.s32 $0x200;
	v9 =	vsel vm0, $0x2328, v7;
	v7 =	vsel vm3, $0x1F40, v8;
	v10 =	vsel vm2, $0x2EE0, v10  }
0xc: {  	s13 =	simm.s32 $0xC0;
	s14 =	simm.s32 $0x240;
	s15 =	simm.s32 $0x100;
	v11 =	vsel vm5, $0x36B0, v11;
	v14 =	vsel vm0, $0x4268, v12;
	v12 =	vsel vm3, $0x3E80, v13  }
0xd: {  	s16 =	simm.s32 $0x280;
	s5 =	sand.u32 $0x1, s2;
	s30 =	sshll.u32 s0, $0x1;
	v15 =	vsel vm2, $0x4E20, v15;
	v16 =	vsel vm3, $0x5DC0, v16;
	v17 =	vsel vm5, $0x55F0, v17  }
0xe: {  	s17 =	simm.s32 $0x1;
	s18 =	simm.s32 $0x300;
	v18 =	vsel vm0, $0x61A8, v18;
	v20 =	vsel vm2, $0x6D60, v20;
	v21 =	vsel vm5, $0x7530, v21;
	s7 =	sor.u32 s5, s30  }
0xf: {  	s19 =	simm.s32 $0x0;
	s2 =	rddreg [dreg:$0x3];
	v19 =	vmul.u32 $0x3E8, v4;
	v4 =	vimm.s32 $0x1770;
	v3 =	vsel vm4, $0x7D0, v3;
	s8 =	smul.u32 $0x28, s7  }
0x10: {  	[smem:$0x7FF] =	sst s3;
	v8 =	vsel vm4, $0x2710, v9;
	s5 =	ssub.s32 $0x2, s5;
	v10 =	vsel vm1, $0x32C8, v10;
	v13 =	vsel vm4, $0x4650, v14;
	s7 =	smul.u32 $0xFA0, s7  }
0x11: {  	_ =	strace $0x80000047;
	v15 =	vsel vm1, $0x5208, v15;
	v18 =	vsel vm4, $0x6590, v18;
	v5 =	vsel vm2, $0xFA0, v4;
	s31 =	sshrl.u32 s5, $0x1;
	s4 =	sadd.s32 s8, s4  }
0x12: {  	v20 =	vsel vm1, $0x7148, v20;
	v4 =	vadd.s32 $0xBB8, v19;
	v5 =	vsel vm1, $0x1388, v5;
	s8 =	ssub.s32 s5, s31;
	s5 =	sadd.s32 s6, s7;
	s7 =	simm.s32 $0x2  }
0x13: {  	v9 =	vadd.s32 $0x2AF8, v19;
	v14 =	vadd.s32 $0x4A38, v19;
	v19 =	vadd.s32 $0x6978, v19;
	s4 =	sadd.s32 $0x400, s4;
	s6 =	smax.u32 s8, $0x1;
	s8 =	simm.s32 $0x40  }
.LBB2_1:
0x14: {  	[tilespmem:s3], [sflag:$0x2] =	stream.linear.gather [hbm4b:s4+s3], $0x140, $0x38;
	[tilespmem:$0x8000] =	vst v63  }
0x15: {  	_ =	swait.ge [sflag:s7], $0x140  }
0x16: {  	[sflag:s7] =	ssyncset.done $0x0  }
0x17: {  	[sflag:s7] =	ssyncadd.s32 $0xFFFFFEC0  }
0x18: {  	[tilespmem:s9], [sflag:$0x1] =	stream.indirect.gather [hbm4b:s1+s8], $0x1, s3, s8, $0xb8;
	[tilespmem:$0x8000] =	vst v63  }
0x19: {  	_ = 	snop  }
0x1a: {  	[tilespmem:s10], [sflag:$0x1] =	stream.indirect.gather [hbm4b:s1+s8], $0x1, s8, s8, $0xb8;
	[tilespmem:$0x8000] =	vst v63  }
0x1b: {  	_ = 	snop  }
0x1c: {  	[tilespmem:s12], [sflag:$0x1] =	stream.indirect.gather [hbm4b:s1+s8], $0x1, s11, s8, $0xb8;
	[tilespmem:$0x8000] =	vst v63  }
0x1d: {  	_ = 	snop  }
0x1e: {  	[tilespmem:s14], [sflag:$0x1] =	stream.indirect.gather [hbm4b:s1+s8], $0x1, s13, s8, $0xb8;
	[tilespmem:$0x8000] =	vst v63  }
0x1f: {  	_ = 	snop  }
0x20: {  	[tilespmem:s16], [sflag:$0x1] =	stream.indirect.gather [hbm4b:s1+s8], $0x1, s15, s8, $0xb8;
	[tilespmem:$0x8000] =	vst v63  }
0x21: {  	_ =	swait.ge [sflag:s17], $0x40  }
0x22: {  	[sflag:s17] =	ssyncset.done $0x0  }
0x23: {  	[sflag:s17] =	ssyncadd.s32 $0xFFFFFFC0  }
0x24: {  	_ =	swait.ge [sflag:s17], $0x40  }
0x25: {  	[sflag:s17] =	ssyncset.done $0x0  }
0x26: {  	[sflag:s17] =	ssyncadd.s32 $0xFFFFFFC0  }
0x27: {  	_ =	swait.ge [sflag:s17], $0x40  }
0x28: {  	[sflag:s17] =	ssyncset.done $0x0  }
0x29: {  	[sflag:s17] =	ssyncadd.s32 $0xFFFFFFC0  }
0x2a: {  	_ =	swait.ge [sflag:s17], $0x40  }
0x2b: {  	[sflag:s17] =	ssyncset.done $0x0  }
0x2c: {  	[sflag:s17] =	ssyncadd.s32 $0xFFFFFFC0  }
0x2d: {  	_ =	swait.ge [sflag:s17], $0x40  }
0x2e: {  	[sflag:s17] =	ssyncset.done $0x0  }
0x2f: {  	s20 =	simm.s32 $0x40;
	s21 =	simm.s32 $0x0;
	[sflag:s17] =	ssyncadd.s32 $0xFFFFFFC0  }
.LBB2_2:
0x30: {  	p0 =	sne.s32 s20, $0x1F3C0;
	[tilespmem:s21+$0x300] =	vst v0;
	s21 =	smov.u32 s20;
	s20 =	sadd.s32 $0x40, s20  }
.Ltmp0:
0x31: {  	(pc) =	sbr.rel @p0 .LBB2_2-.Ltmp0, $2  }
0x32: {  	_ =	sdelay $0x2  }
0x33: {  	s21 =	sshra.s32 s21, $0x2  }
0x34: {  	[tilespmem:s21+$0x300] =	vst v0  }
0x35: {  	v22 =	vld [tilespmem:$0x180];
	_ =	sdelay $0x4  }
0x36: {  	v22 =	vadd.s32 v1, v22;
	_ =	sdelay $0x4  }
0x37: {  	[tilespmem:v22+s18+$0x0] =	vst.idx.msk $0xffff, v2  }
0x38: {  	v22 =	vld [tilespmem:$0x190];
	_ =	sdelay $0x4  }
0x39: {  	v22 =	vadd.s32 v3, v22;
	_ =	sdelay $0x4  }
0x3a: {  	[tilespmem:v22+s18+$0x0] =	vst.idx.msk $0xffff, v2  }
0x3b: {  	v22 =	vld [tilespmem:$0x1A0];
	_ =	sdelay $0x4  }
0x3c: {  	v22 =	vadd.s32 v4, v22;
	_ =	sdelay $0x4  }
0x3d: {  	[tilespmem:v22+s18+$0x0] =	vst.idx.msk $0xffff, v2  }
0x3e: {  	v22 =	vld [tilespmem:$0x1B0];
	_ =	sdelay $0x4  }
0x3f: {  	v22 =	vadd.s32 v5, v22;
	_ =	sdelay $0x4  }
0x40: {  	[tilespmem:v22+s18+$0x0] =	vst.idx.msk $0xffff, v2  }
0x41: {  	v22 =	vld [tilespmem:$0x1C0];
	_ =	sdelay $0x4  }
0x42: {  	v22 =	vadd.s32 v6, v22;
	_ =	sdelay $0x4  }
0x43: {  	[tilespmem:v22+s18+$0x0] =	vst.idx.msk $0xffff, v2  }
0x44: {  	v22 =	vld [tilespmem:$0x1D0];
	_ =	sdelay $0x4  }
0x45: {  	v22 =	vadd.s32 v7, v22;
	_ =	sdelay $0x4  }
0x46: {  	[tilespmem:v22+s18+$0x0] =	vst.idx.msk $0xffff, v2  }
0x47: {  	v22 =	vld [tilespmem:$0x1E0];
	_ =	sdelay $0x4  }
0x48: {  	v22 =	vadd.s32 v8, v22;
	_ =	sdelay $0x4  }
0x49: {  	[tilespmem:v22+s18+$0x0] =	vst.idx.msk $0xffff, v2  }
0x4a: {  	v22 =	vld [tilespmem:$0x1F0];
	_ =	sdelay $0x4  }
0x4b: {  	v22 =	vadd.s32 v9, v22;
	_ =	sdelay $0x4  }
0x4c: {  	[tilespmem:v22+s18+$0x0] =	vst.idx.msk $0xffff, v2  }
0x4d: {  	v22 =	vld [tilespmem:$0x200];
	_ =	sdelay $0x4  }
0x4e: {  	v22 =	vadd.s32 v10, v22;
	_ =	sdelay $0x4  }
0x4f: {  	[tilespmem:v22+s18+$0x0] =	vst.idx.msk $0xffff, v2  }
0x50: {  	v22 =	vld [tilespmem:$0x210];
	_ =	sdelay $0x4  }
0x51: {  	v22 =	vadd.s32 v11, v22;
	_ =	sdelay $0x4  }
0x52: {  	[tilespmem:v22+s18+$0x0] =	vst.idx.msk $0xffff, v2  }
0x53: {  	v22 =	vld [tilespmem:$0x220];
	_ =	sdelay $0x4  }
0x54: {  	v22 =	vadd.s32 v12, v22;
	_ =	sdelay $0x4  }
0x55: {  	[tilespmem:v22+s18+$0x0] =	vst.idx.msk $0xffff, v2  }
0x56: {  	v22 =	vld [tilespmem:$0x230];
	_ =	sdelay $0x4  }
0x57: {  	v22 =	vadd.s32 v13, v22;
	_ =	sdelay $0x4  }
0x58: {  	[tilespmem:v22+s18+$0x0] =	vst.idx.msk $0xffff, v2  }
0x59: {  	v22 =	vld [tilespmem:$0x240];
	_ =	sdelay $0x4  }
0x5a: {  	v22 =	vadd.s32 v14, v22;
	_ =	sdelay $0x4  }
0x5b: {  	[tilespmem:v22+s18+$0x0] =	vst.idx.msk $0xffff, v2  }
0x5c: {  	v22 =	vld [tilespmem:$0x250];
	_ =	sdelay $0x4  }
0x5d: {  	v22 =	vadd.s32 v15, v22;
	_ =	sdelay $0x4  }
0x5e: {  	[tilespmem:v22+s18+$0x0] =	vst.idx.msk $0xffff, v2  }
0x5f: {  	v22 =	vld [tilespmem:$0x260];
	_ =	sdelay $0x4  }
0x60: {  	v22 =	vadd.s32 v17, v22;
	_ =	sdelay $0x4  }
0x61: {  	[tilespmem:v22+s18+$0x0] =	vst.idx.msk $0xffff, v2  }
0x62: {  	v22 =	vld [tilespmem:$0x270];
	_ =	sdelay $0x4  }
0x63: {  	v22 =	vadd.s32 v16, v22;
	_ =	sdelay $0x4  }
0x64: {  	[tilespmem:v22+s18+$0x0] =	vst.idx.msk $0xffff, v2  }
0x65: {  	v22 =	vld [tilespmem:$0x280];
	_ =	sdelay $0x4  }
0x66: {  	v22 =	vadd.s32 v18, v22;
	_ =	sdelay $0x4  }
0x67: {  	[tilespmem:v22+s18+$0x0] =	vst.idx.msk $0xffff, v2  }
0x68: {  	v22 =	vld [tilespmem:$0x290];
	_ =	sdelay $0x4  }
0x69: {  	v22 =	vadd.s32 v19, v22;
	_ =	sdelay $0x4  }
0x6a: {  	[tilespmem:v22+s18+$0x0] =	vst.idx.msk $0xffff, v2  }
0x6b: {  	v22 =	vld [tilespmem:$0x2A0];
	_ =	sdelay $0x4  }
0x6c: {  	v22 =	vadd.s32 v20, v22;
	_ =	sdelay $0x4  }
0x6d: {  	[tilespmem:v22+s18+$0x0] =	vst.idx.msk $0xffff, v2  }
0x6e: {  	v22 =	vld [tilespmem:$0x2B0];
	_ =	sdelay $0x4  }
0x6f: {  	v22 =	vadd.s32 v21, v22;
	_ =	sdelay $0x2  }
0x70: {  	s19 =	sadd.s32 $0x1, s19  }
0x71: {  	p0 =	sne.s32 s19, s6  }
.Ltmp1:
0x72: {  	[tilespmem:v22+s18+$0x0] =	vst.idx.msk $0xffff, v2;
	(pc) =	sbr.rel @p0 .LBB2_1-.Ltmp1, $4  }
0x73: {  	[hbm4b:s5+s3] =	stream.linear.scatter [tilespmem:s18], [sflag:$0x2], $0x7D00, $0x38;
	[tilespmem:$0x8000] =	vst v63  }
0x74: {  	_ =	swait.ge [sflag:s7], $0x7D00  }
0x75: {  	[sflag:s7] =	ssyncset.done $0x0  }
0x76: {  	[sflag:s7] =	ssyncadd.s32 $0xFFFF8300  }
0x77: {  	_ =	sfence.sel $0x180000  }
0x78: {  	[bflag:$0x0] =	sbarrier.arrive $0xFFFF  }
0x79: {  	p0 =	sne.s32 s0, $0x0;
	_ =	strace $0x90000047  }
0x7a: {  	s0 =	sadd.s32 @!p0 $0x100000, s2;
	[bflag:$0x2] =	sbarrier.arrive $0xFFFF  }
0x7b: {  	[sflag:s0] =	ssyncadd.tile.s32 @!p0 $0x1;
	_ =	shalt  }
.Lfunc_end2:
_tile_overlayer_lowered:
.L_overlay_start_2:
0x7c: {  	(tag) =	ssettag $0x2  }
0x7d: {  	s0 =	rddreg [dreg:$0x0];
	s2 =	stileid.u32  }
0x7e: {  	s1 =	rddreg [dreg:$0x1];
	p0 =	sne.s32 s2, $0x0  }
0x7f: {  	s3 =	rddreg [dreg:$0x2];
	[bflag:$0x3] =	sbarrier.arrive $0xFFFF;
	s2 =	simm.s32 @!p0 $0x1C02  }
0x80: {  	[timem:s3], [sflag:s2] =	dma.local @!p0 [hbm:s0], s1  }
0x81: {  	s0 =	simm.s32 @!p0 $0x2  }
0x82: {  	_ =	swait.ge @!p0 [sflag:s0], s1  }
0x83: {  	s1 =	ssub.s32 @!p0 $0x0, s1;
	[sflag:s0] =	ssyncset.done @!p0 $0x0  }
0x84: {  	[sflag:s0] =	ssyncadd.s32 @!p0 s1  }
0x85: {  	[bflag:$0x3] =	sbarrier.arrive $0xFFFF  }
0x86: {  	_ =	shalt  }

</sc_bundles>
